<compile_context>
chip_gen: v7x
topology: tpu7x:2x2x1
jax: 0.10.2.dev20260603
libtpu: 0.0.44.dev20260713+nightly
codegen_flags: <defaults>
</compile_context>

<pallas_src>
import jax
import jax.numpy as jnp
from jax import lax
from jax.experimental import pallas as pl
from jax.experimental.pallas import tpu as pltpu
from jax.experimental.pallas import tpu_sc as plsc

_LANES = 16
_CH = 32
_NBUF = 3
_DRAIN = 2


def _sc_dims():
    try:
        info = plsc.get_sparse_core_info()
        return info.num_cores, info.num_subcores
    except Exception:
        return 2, 16


def _make_gather(n_rows, batch, t, d):
    nc, ns = _sc_dims()
    nw = nc * ns
    bpw = batch // nw
    nch = bpw // _CH
    mesh = plsc.VectorSubcoreMesh(core_axis_name="c", subcore_axis_name="s")

    def body(table_hbm, cls_hbm, attr_hbm, na_hbm, out_hbm,
             cls_v, attr_v, idx_refs, na_v, bufs, gsems, wsems):
        wid = lax.axis_index("s") * nc + lax.axis_index("c")
        base = wid * bpw

        c0 = pltpu.async_copy(cls_hbm.at[pl.ds(base, bpw)], cls_v, gsems[0])
        c1 = pltpu.async_copy(attr_hbm.at[pl.ds(base, bpw)], attr_v, gsems[1])
        c2 = pltpu.async_copy(na_hbm, na_v, gsems[2])
        c0.wait()
        c1.wait()
        c2.wait()
        na = na_v[...]
        for c in range(nch):
            for j in range(_CH // _LANES):
                s = pl.ds(c * _CH + j * _LANES, _LANES)
                sj = pl.ds(j * _LANES, _LANES)
                idx_refs[c][sj] = cls_v[s] * na + attr_v[s]

        gathers = [None] * nch
        writes = [None] * nch
        for c in range(nch + _DRAIN):
            if c < nch:
                bb = c % _NBUF
                if c >= _NBUF:
                    writes[c - _NBUF].wait()
                gathers[c] = pltpu.async_copy(
                    table_hbm.at[idx_refs[c]],
                    bufs.at[bb], gsems[bb])
            d_c = c - _DRAIN
            if d_c >= 0:
                bd = d_c % _NBUF
                gathers[d_c].wait()
                writes[d_c] = pltpu.async_copy(
                    bufs.at[bd],
                    out_hbm.at[pl.ds(base + d_c * _CH, _CH)],
                    wsems[bd])
        for d_c in range(max(0, nch - _NBUF), nch):
            writes[d_c].wait()

    return pl.kernel(
        body,
        out_type=jax.ShapeDtypeStruct((batch, t, d), jnp.float32),
        mesh=mesh,
        scratch_types=[
            pltpu.VMEM((bpw,), jnp.int32),
            pltpu.VMEM((bpw,), jnp.int32),
            [pltpu.VMEM((_CH,), jnp.int32)] * (bpw // _CH),
            pltpu.VMEM((_LANES,), jnp.int32),
            pltpu.VMEM((_NBUF, _CH, t, d), jnp.float32),
            [pltpu.SemaphoreType.DMA] * _NBUF,
            [pltpu.SemaphoreType.DMA] * _NBUF,
        ],
    )


def kernel(attribute_embeddings, class_idx, attr_idx, n_attrs):
    n, t, d = attribute_embeddings.shape
    cls = class_idx.astype(jnp.int32)
    att = attr_idx.astype(jnp.int32)
    na16 = jnp.broadcast_to(
        jnp.asarray(n_attrs, jnp.int32).reshape(()), (_LANES,))
    batch = cls.shape[0]
    return _make_gather(n, batch, t, d)(attribute_embeddings, cls, att, na16)

# --- scband reference (transcript-rebuilt; emitter-appended) ---
"""Pipeline reference for scband-attribute-embedding-4638564680045 (READ-ONLY COPY).

The authoritative reference and input builder live on the scoring server;
editing this copy changes nothing except your own understanding.
"""

import jax, jax.numpy as jnp
import numpy as np


def setup_inputs(seed: int = 0) -> dict:
    key = jax.random.key(seed)
    k1, k2, k3 = jax.random.split(key, 3)
    n_classes, n_attrs, token_len, dim = 1000, 100, 8, 128
    batch = 16384
    # Frozen buffer of stacked per-attribute CLIP token embeddings:
    # shape [n_classes * n_attrs, token_len, dim]
    attribute_embeddings = jax.random.normal(
        k1, (n_classes * n_attrs, token_len, dim), dtype=jnp.float32) * 0.02
    class_idx = jax.random.randint(k2, (batch,), 0, n_classes, dtype=jnp.int64)
    attr_idx = jax.random.randint(k3, (batch,), 0, n_attrs, dtype=jnp.int64)
    return {
        "attribute_embeddings": attribute_embeddings,
        "class_idx": class_idx,
        "attr_idx": attr_idx,
        "n_attrs": n_attrs,
    }


def reference(attribute_embeddings, class_idx, attr_idx, n_attrs):
    # get_attribute_embeddings: idx = class_idx * n_attrs + attr_idx;
    # return attribute_embeddings[idx]  (batched gather over the flat table)
    idx = class_idx * n_attrs + attr_idx
    return jnp.take(attribute_embeddings, idx, axis=0)

if __name__ == "__main__":
    import jax
    _d = setup_inputs()
    print(jax.jit(kernel)(*tuple(_d.values())))

</pallas_src>

<mosaic_0001>
#map = affine_map<(d0, d1) -> (0, 0, 0)>
#map1 = affine_map<(d0, d1) -> (0)>
module attributes {stable_mosaic.version = 14 : i64} {
  func.func @body(%arg0: i32, %arg1: i32, %arg2: memref<100000x8x128xf32, #tpu.memory_space<hbm>>, %arg3: memref<16384xi32, #tpu.memory_space<hbm>>, %arg4: memref<16384xi32, #tpu.memory_space<hbm>>, %arg5: memref<16xi32, #tpu.memory_space<hbm>>, %arg6: memref<16384x8x128xf32, #tpu.memory_space<hbm>>, %arg7: memref<512xi32, #tpu.memory_space<vmem>>, %arg8: memref<512xi32, #tpu.memory_space<vmem>>, %arg9: memref<32xi32, #tpu.memory_space<vmem>>, %arg10: memref<32xi32, #tpu.memory_space<vmem>>, %arg11: memref<32xi32, #tpu.memory_space<vmem>>, %arg12: memref<32xi32, #tpu.memory_space<vmem>>, %arg13: memref<32xi32, #tpu.memory_space<vmem>>, %arg14: memref<32xi32, #tpu.memory_space<vmem>>, %arg15: memref<32xi32, #tpu.memory_space<vmem>>, %arg16: memref<32xi32, #tpu.memory_space<vmem>>, %arg17: memref<32xi32, #tpu.memory_space<vmem>>, %arg18: memref<32xi32, #tpu.memory_space<vmem>>, %arg19: memref<32xi32, #tpu.memory_space<vmem>>, %arg20: memref<32xi32, #tpu.memory_space<vmem>>, %arg21: memref<32xi32, #tpu.memory_space<vmem>>, %arg22: memref<32xi32, #tpu.memory_space<vmem>>, %arg23: memref<32xi32, #tpu.memory_space<vmem>>, %arg24: memref<32xi32, #tpu.memory_space<vmem>>, %arg25: memref<16xi32, #tpu.memory_space<vmem>>, %arg26: memref<3x32x8x128xf32, #tpu.memory_space<vmem>>, %arg27: memref<!tpu.dma_semaphore, #tpu.memory_space<semaphore_mem>>, %arg28: memref<!tpu.dma_semaphore, #tpu.memory_space<semaphore_mem>>, %arg29: memref<!tpu.dma_semaphore, #tpu.memory_space<semaphore_mem>>, %arg30: memref<!tpu.dma_semaphore, #tpu.memory_space<semaphore_mem>>, %arg31: memref<!tpu.dma_semaphore, #tpu.memory_space<semaphore_mem>>, %arg32: memref<!tpu.dma_semaphore, #tpu.memory_space<semaphore_mem>>) attributes {dimension_semantics = [#tpu.dimension_semantics<core_parallel>, #tpu.dimension_semantics<subcore_parallel>], iteration_bounds = array<i64: 2, 16>, scalar_prefetch = 0 : i64, scratch_operands = 26 : i64, tpu.core_type = #tpu.core_type<sc_vector_subcore>, window_params = [{transform_indices = #map}, {transform_indices = #map1}, {transform_indices = #map1}, {transform_indices = #map1}, {transform_indices = #map}]} {
    %mul3A = arith.constant 2 : i32
    %mul3A_0 = arith.muli %arg1, %mul3A : i32
    %add3A = arith.addi %mul3A_0, %arg0 : i32
    %mul3A_1 = arith.constant 512 : i32
    %mul3A_2 = arith.muli %add3A, %mul3A_1 : i32
    %dma_start3A = tpu.memref_slice %arg3[%mul3A_2] : memref<16384xi32, #tpu.memory_space<hbm>> -> memref<512xi32, #tpu.memory_space<hbm>>
    %dma_start3A_3 = tpu.memref_slice %arg3[%mul3A_2] : memref<16384xi32, #tpu.memory_space<hbm>> -> memref<512xi32, #tpu.memory_space<hbm>>
    tpu.enqueue_dma source(%dma_start3A_3 : memref<512xi32, #tpu.memory_space<hbm>>) target(%arg7 : memref<512xi32, #tpu.memory_space<vmem>>) target_semaphore(%arg27 : memref<!tpu.dma_semaphore, #tpu.memory_space<semaphore_mem>>)
    %dma_start3A_4 = tpu.memref_slice %arg4[%mul3A_2] : memref<16384xi32, #tpu.memory_space<hbm>> -> memref<512xi32, #tpu.memory_space<hbm>>
    %dma_start3A_5 = tpu.memref_slice %arg4[%mul3A_2] : memref<16384xi32, #tpu.memory_space<hbm>> -> memref<512xi32, #tpu.memory_space<hbm>>
    tpu.enqueue_dma source(%dma_start3A_5 : memref<512xi32, #tpu.memory_space<hbm>>) target(%arg8 : memref<512xi32, #tpu.memory_space<vmem>>) target_semaphore(%arg28 : memref<!tpu.dma_semaphore, #tpu.memory_space<semaphore_mem>>)
    tpu.enqueue_dma source(%arg5 : memref<16xi32, #tpu.memory_space<hbm>>) target(%arg25 : memref<16xi32, #tpu.memory_space<vmem>>) target_semaphore(%arg29 : memref<!tpu.dma_semaphore, #tpu.memory_space<semaphore_mem>>)
    %dma_wait3A = tpu.memref_slice %arg3[%mul3A_2] : memref<16384xi32, #tpu.memory_space<hbm>> -> memref<512xi32, #tpu.memory_space<hbm>>
    %dma_wait3A_6 = tpu.memref_slice %arg3[%mul3A_2] : memref<16384xi32, #tpu.memory_space<hbm>> -> memref<512xi32, #tpu.memory_space<hbm>>
    tpu.wait_dma2 semaphore(%arg27 : memref<!tpu.dma_semaphore, #tpu.memory_space<semaphore_mem>>) src(%dma_wait3A_6 : memref<512xi32, #tpu.memory_space<hbm>>) dst(%arg7 : memref<512xi32, #tpu.memory_space<vmem>>)
    %dma_wait3A_7 = tpu.memref_slice %arg4[%mul3A_2] : memref<16384xi32, #tpu.memory_space<hbm>> -> memref<512xi32, #tpu.memory_space<hbm>>
    %dma_wait3A_8 = tpu.memref_slice %arg4[%mul3A_2] : memref<16384xi32, #tpu.memory_space<hbm>> -> memref<512xi32, #tpu.memory_space<hbm>>
    tpu.wait_dma2 semaphore(%arg28 : memref<!tpu.dma_semaphore, #tpu.memory_space<semaphore_mem>>) src(%dma_wait3A_8 : memref<512xi32, #tpu.memory_space<hbm>>) dst(%arg8 : memref<512xi32, #tpu.memory_space<vmem>>)
    tpu.wait_dma2 semaphore(%arg29 : memref<!tpu.dma_semaphore, #tpu.memory_space<semaphore_mem>>) src(%arg5 : memref<16xi32, #tpu.memory_space<hbm>>) dst(%arg25 : memref<16xi32, #tpu.memory_space<vmem>>)
    %get3A = arith.constant 0 : index
    %get3A_9 = tpu.vector_load %arg25[%get3A] {strides = array<i32>} : memref<16xi32, #tpu.memory_space<vmem>>, vector<16xi32>,
    %get3A_10 = vector.shape_cast %get3A_9 : vector<16xi32> to vector<16xi32>
    %get3A_11 = arith.constant 0 : index
    %get3A_12 = tpu.vector_load %arg7[%get3A_11] {strides = array<i32>} : memref<512xi32, #tpu.memory_space<vmem>>, vector<16xi32>,
    %get3A_13 = vector.shape_cast %get3A_12 : vector<16xi32> to vector<16xi32>
    %mul3A_14 = arith.muli %get3A_13, %get3A_10 : vector<16xi32>
    %get3A_15 = arith.constant 0 : index
    %get3A_16 = tpu.vector_load %arg8[%get3A_15] {strides = array<i32>} : memref<512xi32, #tpu.memory_space<vmem>>, vector<16xi32>,
    %get3A_17 = vector.shape_cast %get3A_16 : vector<16xi32> to vector<16xi32>
    %add3A_18 = arith.addi %mul3A_14, %get3A_17 : vector<16xi32>
    %swap3A = arith.constant 0 : index
    %swap3A_19 = tpu.vector_load %arg9[%swap3A] {strides = array<i32>} : memref<32xi32, #tpu.memory_space<vmem>>, vector<16xi32>,
    %swap3A_20 = vector.shape_cast %swap3A_19 : vector<16xi32> to vector<16xi32>
    %swap3A_21 = vector.shape_cast %add3A_18 : vector<16xi32> to vector<16xi32>
    tpu.vector_store %arg9[%swap3A], %swap3A_21 {strides = array<i32>} : memref<32xi32, #tpu.memory_space<vmem>>, vector<16xi32>,
    %get3A_22 = arith.constant 16 : index
    %get3A_23 = tpu.vector_load %arg7[%get3A_22] {strides = array<i32>} : memref<512xi32, #tpu.memory_space<vmem>>, vector<16xi32>,
    %get3A_24 = vector.shape_cast %get3A_23 : vector<16xi32> to vector<16xi32>
    %mul3A_25 = arith.muli %get3A_24, %get3A_10 : vector<16xi32>
    %get3A_26 = arith.constant 16 : index
    %get3A_27 = tpu.vector_load %arg8[%get3A_26] {strides = array<i32>} : memref<512xi32, #tpu.memory_space<vmem>>, vector<16xi32>,
    %get3A_28 = vector.shape_cast %get3A_27 : vector<16xi32> to vector<16xi32>
    %add3A_29 = arith.addi %mul3A_25, %get3A_28 : vector<16xi32>
    %swap3A_30 = arith.constant 16 : index
    %swap3A_31 = tpu.vector_load %arg9[%swap3A_30] {strides = array<i32>} : memref<32xi32, #tpu.memory_space<vmem>>, vector<16xi32>,
    %swap3A_32 = vector.shape_cast %swap3A_31 : vector<16xi32> to vector<16xi32>
    %swap3A_33 = vector.shape_cast %add3A_29 : vector<16xi32> to vector<16xi32>
    tpu.vector_store %arg9[%swap3A_30], %swap3A_33 {strides = array<i32>} : memref<32xi32, #tpu.memory_space<vmem>>, vector<16xi32>,
    %get3A_34 = arith.constant 32 : index
    %get3A_35 = tpu.vector_load %arg7[%get3A_34] {strides = array<i32>} : memref<512xi32, #tpu.memory_space<vmem>>, vector<16xi32>,
    %get3A_36 = vector.shape_cast %get3A_35 : vector<16xi32> to vector<16xi32>
    %mul3A_37 = arith.muli %get3A_36, %get3A_10 : vector<16xi32>
    %get3A_38 = arith.constant 32 : index
    %get3A_39 = tpu.vector_load %arg8[%get3A_38] {strides = array<i32>} : memref<512xi32, #tpu.memory_space<vmem>>, vector<16xi32>,
    %get3A_40 = vector.shape_cast %get3A_39 : vector<16xi32> to vector<16xi32>
    %add3A_41 = arith.addi %mul3A_37, %get3A_40 : vector<16xi32>
    %swap3A_42 = arith.constant 0 : index
    %swap3A_43 = tpu.vector_load %arg10[%swap3A_42] {strides = array<i32>} : memref<32xi32, #tpu.memory_space<vmem>>, vector<16xi32>,
    %swap3A_44 = vector.shape_cast %swap3A_43 : vector<16xi32> to vector<16xi32>
    %swap3A_45 = vector.shape_cast %add3A_41 : vector<16xi32> to vector<16xi32>
    tpu.vector_store %arg10[%swap3A_42], %swap3A_45 {strides = array<i32>} : memref<32xi32, #tpu.memory_space<vmem>>, vector<16xi32>,
    %get3A_46 = arith.constant 48 : index
    %get3A_47 = tpu.vector_load %arg7[%get3A_46] {strides = array<i32>} : memref<512xi32, #tpu.memory_space<vmem>>, vector<16xi32>,
    %get3A_48 = vector.shape_cast %get3A_47 : vector<16xi32> to vector<16xi32>
    %mul3A_49 = arith.muli %get3A_48, %get3A_10 : vector<16xi32>
    %get3A_50 = arith.constant 48 : index
    %get3A_51 = tpu.vector_load %arg8[%get3A_50] {strides = array<i32>} : memref<512xi32, #tpu.memory_space<vmem>>, vector<16xi32>,
    %get3A_52 = vector.shape_cast %get3A_51 : vector<16xi32> to vector<16xi32>
    %add3A_53 = arith.addi %mul3A_49, %get3A_52 : vector<16xi32>
    %swap3A_54 = arith.constant 16 : index
    %swap3A_55 = tpu.vector_load %arg10[%swap3A_54] {strides = array<i32>} : memref<32xi32, #tpu.memory_space<vmem>>, vector<16xi32>,
    %swap3A_56 = vector.shape_cast %swap3A_55 : vector<16xi32> to vector<16xi32>
    %swap3A_57 = vector.shape_cast %add3A_53 : vector<16xi32> to vector<16xi32>
    tpu.vector_store %arg10[%swap3A_54], %swap3A_57 {strides = array<i32>} : memref<32xi32, #tpu.memory_space<vmem>>, vector<16xi32>,
    %get3A_58 = arith.constant 64 : index
    %get3A_59 = tpu.vector_load %arg7[%get3A_58] {strides = array<i32>} : memref<512xi32, #tpu.memory_space<vmem>>, vector<16xi32>,
    %get3A_60 = vector.shape_cast %get3A_59 : vector<16xi32> to vector<16xi32>
    %mul3A_61 = arith.muli %get3A_60, %get3A_10 : vector<16xi32>
    %get3A_62 = arith.constant 64 : index
    %get3A_63 = tpu.vector_load %arg8[%get3A_62] {strides = array<i32>} : memref<512xi32, #tpu.memory_space<vmem>>, vector<16xi32>,
    %get3A_64 = vector.shape_cast %get3A_63 : vector<16xi32> to vector<16xi32>
    %add3A_65 = arith.addi %mul3A_61, %get3A_64 : vector<16xi32>
    %swap3A_66 = arith.constant 0 : index
    %swap3A_67 = tpu.vector_load %arg11[%swap3A_66] {strides = array<i32>} : memref<32xi32, #tpu.memory_space<vmem>>, vector<16xi32>,
    %swap3A_68 = vector.shape_cast %swap3A_67 : vector<16xi32> to vector<16xi32>
    %swap3A_69 = vector.shape_cast %add3A_65 : vector<16xi32> to vector<16xi32>
    tpu.vector_store %arg11[%swap3A_66], %swap3A_69 {strides = array<i32>} : memref<32xi32, #tpu.memory_space<vmem>>, vector<16xi32>,
    %get3A_70 = arith.constant 80 : index
    %get3A_71 = tpu.vector_load %arg7[%get3A_70] {strides = array<i32>} : memref<512xi32, #tpu.memory_space<vmem>>, vector<16xi32>,
    %get3A_72 = vector.shape_cast %get3A_71 : vector<16xi32> to vector<16xi32>
    %mul3A_73 = arith.muli %get3A_72, %get3A_10 : vector<16xi32>
    %get3A_74 = arith.constant 80 : index
    %get3A_75 = tpu.vector_load %arg8[%get3A_74] {strides = array<i32>} : memref<512xi32, #tpu.memory_space<vmem>>, vector<16xi32>,
    %get3A_76 = vector.shape_cast %get3A_75 : vector<16xi32> to vector<16xi32>
    %add3A_77 = arith.addi %mul3A_73, %get3A_76 : vector<16xi32>
    %swap3A_78 = arith.constant 16 : index
    %swap3A_79 = tpu.vector_load %arg11[%swap3A_78] {strides = array<i32>} : memref<32xi32, #tpu.memory_space<vmem>>, vector<16xi32>,
    %swap3A_80 = vector.shape_cast %swap3A_79 : vector<16xi32> to vector<16xi32>
    %swap3A_81 = vector.shape_cast %add3A_77 : vector<16xi32> to vector<16xi32>
    tpu.vector_store %arg11[%swap3A_78], %swap3A_81 {strides = array<i32>} : memref<32xi32, #tpu.memory_space<vmem>>, vector<16xi32>,
    %get3A_82 = arith.constant 96 : index
    %get3A_83 = tpu.vector_load %arg7[%get3A_82] {strides = array<i32>} : memref<512xi32, #tpu.memory_space<vmem>>, vector<16xi32>,
    %get3A_84 = vector.shape_cast %get3A_83 : vector<16xi32> to vector<16xi32>
    %mul3A_85 = arith.muli %get3A_84, %get3A_10 : vector<16xi32>
    %get3A_86 = arith.constant 96 : index
    %get3A_87 = tpu.vector_load %arg8[%get3A_86] {strides = array<i32>} : memref<512xi32, #tpu.memory_space<vmem>>, vector<16xi32>,
    %get3A_88 = vector.shape_cast %get3A_87 : vector<16xi32> to vector<16xi32>
    %add3A_89 = arith.addi %mul3A_85, %get3A_88 : vector<16xi32>
    %swap3A_90 = arith.constant 0 : index
    %swap3A_91 = tpu.vector_load %arg12[%swap3A_90] {strides = array<i32>} : memref<32xi32, #tpu.memory_space<vmem>>, vector<16xi32>,
    %swap3A_92 = vector.shape_cast %swap3A_91 : vector<16xi32> to vector<16xi32>
    %swap3A_93 = vector.shape_cast %add3A_89 : vector<16xi32> to vector<16xi32>
    tpu.vector_store %arg12[%swap3A_90], %swap3A_93 {strides = array<i32>} : memref<32xi32, #tpu.memory_space<vmem>>, vector<16xi32>,
    %get3A_94 = arith.constant 112 : index
    %get3A_95 = tpu.vector_load %arg7[%get3A_94] {strides = array<i32>} : memref<512xi32, #tpu.memory_space<vmem>>, vector<16xi32>,
    %get3A_96 = vector.shape_cast %get3A_95 : vector<16xi32> to vector<16xi32>
    %mul3A_97 = arith.muli %get3A_96, %get3A_10 : vector<16xi32>
    %get3A_98 = arith.constant 112 : index
    %get3A_99 = tpu.vector_load %arg8[%get3A_98] {strides = array<i32>} : memref<512xi32, #tpu.memory_space<vmem>>, vector<16xi32>,
    %get3A_100 = vector.shape_cast %get3A_99 : vector<16xi32> to vector<16xi32>
    %add3A_101 = arith.addi %mul3A_97, %get3A_100 : vector<16xi32>
    %swap3A_102 = arith.constant 16 : index
    %swap3A_103 = tpu.vector_load %arg12[%swap3A_102] {strides = array<i32>} : memref<32xi32, #tpu.memory_space<vmem>>, vector<16xi32>,
    %swap3A_104 = vector.shape_cast %swap3A_103 : vector<16xi32> to vector<16xi32>
    %swap3A_105 = vector.shape_cast %add3A_101 : vector<16xi32> to vector<16xi32>
    tpu.vector_store %arg12[%swap3A_102], %swap3A_105 {strides = array<i32>} : memref<32xi32, #tpu.memory_space<vmem>>, vector<16xi32>,
    %get3A_106 = arith.constant 128 : index
    %get3A_107 = tpu.vector_load %arg7[%get3A_106] {strides = array<i32>} : memref<512xi32, #tpu.memory_space<vmem>>, vector<16xi32>,
    %get3A_108 = vector.shape_cast %get3A_107 : vector<16xi32> to vector<16xi32>
    %mul3A_109 = arith.muli %get3A_108, %get3A_10 : vector<16xi32>
    %get3A_110 = arith.constant 128 : index
    %get3A_111 = tpu.vector_load %arg8[%get3A_110] {strides = array<i32>} : memref<512xi32, #tpu.memory_space<vmem>>, vector<16xi32>,
    %get3A_112 = vector.shape_cast %get3A_111 : vector<16xi32> to vector<16xi32>
    %add3A_113 = arith.addi %mul3A_109, %get3A_112 : vector<16xi32>
    %swap3A_114 = arith.constant 0 : index
    %swap3A_115 = tpu.vector_load %arg13[%swap3A_114] {strides = array<i32>} : memref<32xi32, #tpu.memory_space<vmem>>, vector<16xi32>,
    %swap3A_116 = vector.shape_cast %swap3A_115 : vector<16xi32> to vector<16xi32>
    %swap3A_117 = vector.shape_cast %add3A_113 : vector<16xi32> to vector<16xi32>
    tpu.vector_store %arg13[%swap3A_114], %swap3A_117 {strides = array<i32>} : memref<32xi32, #tpu.memory_space<vmem>>, vector<16xi32>,
    %get3A_118 = arith.constant 144 : index
    %get3A_119 = tpu.vector_load %arg7[%get3A_118] {strides = array<i32>} : memref<512xi32, #tpu.memory_space<vmem>>, vector<16xi32>,
    %get3A_120 = vector.shape_cast %get3A_119 : vector<16xi32> to vector<16xi32>
    %mul3A_121 = arith.muli %get3A_120, %get3A_10 : vector<16xi32>
    %get3A_122 = arith.constant 144 : index
    %get3A_123 = tpu.vector_load %arg8[%get3A_122] {strides = array<i32>} : memref<512xi32, #tpu.memory_space<vmem>>, vector<16xi32>,
    %get3A_124 = vector.shape_cast %get3A_123 : vector<16xi32> to vector<16xi32>
    %add3A_125 = arith.addi %mul3A_121, %get3A_124 : vector<16xi32>
    %swap3A_126 = arith.constant 16 : index
    %swap3A_127 = tpu.vector_load %arg13[%swap3A_126] {strides = array<i32>} : memref<32xi32, #tpu.memory_space<vmem>>, vector<16xi32>,
    %swap3A_128 = vector.shape_cast %swap3A_127 : vector<16xi32> to vector<16xi32>
    %swap3A_129 = vector.shape_cast %add3A_125 : vector<16xi32> to vector<16xi32>
    tpu.vector_store %arg13[%swap3A_126], %swap3A_129 {strides = array<i32>} : memref<32xi32, #tpu.memory_space<vmem>>, vector<16xi32>,
    %get3A_130 = arith.constant 160 : index
    %get3A_131 = tpu.vector_load %arg7[%get3A_130] {strides = array<i32>} : memref<512xi32, #tpu.memory_space<vmem>>, vector<16xi32>,
    %get3A_132 = vector.shape_cast %get3A_131 : vector<16xi32> to vector<16xi32>
    %mul3A_133 = arith.muli %get3A_132, %get3A_10 : vector<16xi32>
    %get3A_134 = arith.constant 160 : index
    %get3A_135 = tpu.vector_load %arg8[%get3A_134] {strides = array<i32>} : memref<512xi32, #tpu.memory_space<vmem>>, vector<16xi32>,
    %get3A_136 = vector.shape_cast %get3A_135 : vector<16xi32> to vector<16xi32>
    %add3A_137 = arith.addi %mul3A_133, %get3A_136 : vector<16xi32>
    %swap3A_138 = arith.constant 0 : index
    %swap3A_139 = tpu.vector_load %arg14[%swap3A_138] {strides = array<i32>} : memref<32xi32, #tpu.memory_space<vmem>>, vector<16xi32>,
    %swap3A_140 = vector.shape_cast %swap3A_139 : vector<16xi32> to vector<16xi32>
    %swap3A_141 = vector.shape_cast %add3A_137 : vector<16xi32> to vector<16xi32>
    tpu.vector_store %arg14[%swap3A_138], %swap3A_141 {strides = array<i32>} : memref<32xi32, #tpu.memory_space<vmem>>, vector<16xi32>,
    %get3A_142 = arith.constant 176 : index
    %get3A_143 = tpu.vector_load %arg7[%get3A_142] {strides = array<i32>} : memref<512xi32, #tpu.memory_space<vmem>>, vector<16xi32>,
    %get3A_144 = vector.shape_cast %get3A_143 : vector<16xi32> to vector<16xi32>
    %mul3A_145 = arith.muli %get3A_144, %get3A_10 : vector<16xi32>
    %get3A_146 = arith.constant 176 : index
    %get3A_147 = tpu.vector_load %arg8[%get3A_146] {strides = array<i32>} : memref<512xi32, #tpu.memory_space<vmem>>, vector<16xi32>,
    %get3A_148 = vector.shape_cast %get3A_147 : vector<16xi32> to vector<16xi32>
    %add3A_149 = arith.addi %mul3A_145, %get3A_148 : vector<16xi32>
    %swap3A_150 = arith.constant 16 : index
    %swap3A_151 = tpu.vector_load %arg14[%swap3A_150] {strides = array<i32>} : memref<32xi32, #tpu.memory_space<vmem>>, vector<16xi32>,
    %swap3A_152 = vector.shape_cast %swap3A_151 : vector<16xi32> to vector<16xi32>
    %swap3A_153 = vector.shape_cast %add3A_149 : vector<16xi32> to vector<16xi32>
    tpu.vector_store %arg14[%swap3A_150], %swap3A_153 {strides = array<i32>} : memref<32xi32, #tpu.memory_space<vmem>>, vector<16xi32>,
    %get3A_154 = arith.constant 192 : index
    %get3A_155 = tpu.vector_load %arg7[%get3A_154] {strides = array<i32>} : memref<512xi32, #tpu.memory_space<vmem>>, vector<16xi32>,
    %get3A_156 = vector.shape_cast %get3A_155 : vector<16xi32> to vector<16xi32>
    %mul3A_157 = arith.muli %get3A_156, %get3A_10 : vector<16xi32>
    %get3A_158 = arith.constant 192 : index
    %get3A_159 = tpu.vector_load %arg8[%get3A_158] {strides = array<i32>} : memref<512xi32, #tpu.memory_space<vmem>>, vector<16xi32>,
    %get3A_160 = vector.shape_cast %get3A_159 : vector<16xi32> to vector<16xi32>
    %add3A_161 = arith.addi %mul3A_157, %get3A_160 : vector<16xi32>
    %swap3A_162 = arith.constant 0 : index
    %swap3A_163 = tpu.vector_load %arg15[%swap3A_162] {strides = array<i32>} : memref<32xi32, #tpu.memory_space<vmem>>, vector<16xi32>,
    %swap3A_164 = vector.shape_cast %swap3A_163 : vector<16xi32> to vector<16xi32>
    %swap3A_165 = vector.shape_cast %add3A_161 : vector<16xi32> to vector<16xi32>
    tpu.vector_store %arg15[%swap3A_162], %swap3A_165 {strides = array<i32>} : memref<32xi32, #tpu.memory_space<vmem>>, vector<16xi32>,
    %get3A_166 = arith.constant 208 : index
    %get3A_167 = tpu.vector_load %arg7[%get3A_166] {strides = array<i32>} : memref<512xi32, #tpu.memory_space<vmem>>, vector<16xi32>,
    %get3A_168 = vector.shape_cast %get3A_167 : vector<16xi32> to vector<16xi32>
    %mul3A_169 = arith.muli %get3A_168, %get3A_10 : vector<16xi32>
    %get3A_170 = arith.constant 208 : index
    %get3A_171 = tpu.vector_load %arg8[%get3A_170] {strides = array<i32>} : memref<512xi32, #tpu.memory_space<vmem>>, vector<16xi32>,
    %get3A_172 = vector.shape_cast %get3A_171 : vector<16xi32> to vector<16xi32>
    %add3A_173 = arith.addi %mul3A_169, %get3A_172 : vector<16xi32>
    %swap3A_174 = arith.constant 16 : index
    %swap3A_175 = tpu.vector_load %arg15[%swap3A_174] {strides = array<i32>} : memref<32xi32, #tpu.memory_space<vmem>>, vector<16xi32>,
    %swap3A_176 = vector.shape_cast %swap3A_175 : vector<16xi32> to vector<16xi32>
    %swap3A_177 = vector.shape_cast %add3A_173 : vector<16xi32> to vector<16xi32>
    tpu.vector_store %arg15[%swap3A_174], %swap3A_177 {strides = array<i32>} : memref<32xi32, #tpu.memory_space<vmem>>, vector<16xi32>,
    %get3A_178 = arith.constant 224 : index
    %get3A_179 = tpu.vector_load %arg7[%get3A_178] {strides = array<i32>} : memref<512xi32, #tpu.memory_space<vmem>>, vector<16xi32>,
    %get3A_180 = vector.shape_cast %get3A_179 : vector<16xi32> to vector<16xi32>
    %mul3A_181 = arith.muli %get3A_180, %get3A_10 : vector<16xi32>
    %get3A_182 = arith.constant 224 : index
    %get3A_183 = tpu.vector_load %arg8[%get3A_182] {strides = array<i32>} : memref<512xi32, #tpu.memory_space<vmem>>, vector<16xi32>,
    %get3A_184 = vector.shape_cast %get3A_183 : vector<16xi32> to vector<16xi32>
    %add3A_185 = arith.addi %mul3A_181, %get3A_184 : vector<16xi32>
    %swap3A_186 = arith.constant 0 : index
    %swap3A_187 = tpu.vector_load %arg16[%swap3A_186] {strides = array<i32>} : memref<32xi32, #tpu.memory_space<vmem>>, vector<16xi32>,
    %swap3A_188 = vector.shape_cast %swap3A_187 : vector<16xi32> to vector<16xi32>
    %swap3A_189 = vector.shape_cast %add3A_185 : vector<16xi32> to vector<16xi32>
    tpu.vector_store %arg16[%swap3A_186], %swap3A_189 {strides = array<i32>} : memref<32xi32, #tpu.memory_space<vmem>>, vector<16xi32>,
    %get3A_190 = arith.constant 240 : index
    %get3A_191 = tpu.vector_load %arg7[%get3A_190] {strides = array<i32>} : memref<512xi32, #tpu.memory_space<vmem>>, vector<16xi32>,
    %get3A_192 = vector.shape_cast %get3A_191 : vector<16xi32> to vector<16xi32>
    %mul3A_193 = arith.muli %get3A_192, %get3A_10 : vector<16xi32>
    %get3A_194 = arith.constant 240 : index
    %get3A_195 = tpu.vector_load %arg8[%get3A_194] {strides = array<i32>} : memref<512xi32, #tpu.memory_space<vmem>>, vector<16xi32>,
    %get3A_196 = vector.shape_cast %get3A_195 : vector<16xi32> to vector<16xi32>
    %add3A_197 = arith.addi %mul3A_193, %get3A_196 : vector<16xi32>
    %swap3A_198 = arith.constant 16 : index
    %swap3A_199 = tpu.vector_load %arg16[%swap3A_198] {strides = array<i32>} : memref<32xi32, #tpu.memory_space<vmem>>, vector<16xi32>,
    %swap3A_200 = vector.shape_cast %swap3A_199 : vector<16xi32> to vector<16xi32>
    %swap3A_201 = vector.shape_cast %add3A_197 : vector<16xi32> to vector<16xi32>
    tpu.vector_store %arg16[%swap3A_198], %swap3A_201 {strides = array<i32>} : memref<32xi32, #tpu.memory_space<vmem>>, vector<16xi32>,
    %get3A_202 = arith.constant 256 : index
    %get3A_203 = tpu.vector_load %arg7[%get3A_202] {strides = array<i32>} : memref<512xi32, #tpu.memory_space<vmem>>, vector<16xi32>,
    %get3A_204 = vector.shape_cast %get3A_203 : vector<16xi32> to vector<16xi32>
    %mul3A_205 = arith.muli %get3A_204, %get3A_10 : vector<16xi32>
    %get3A_206 = arith.constant 256 : index
    %get3A_207 = tpu.vector_load %arg8[%get3A_206] {strides = array<i32>} : memref<512xi32, #tpu.memory_space<vmem>>, vector<16xi32>,
    %get3A_208 = vector.shape_cast %get3A_207 : vector<16xi32> to vector<16xi32>
    %add3A_209 = arith.addi %mul3A_205, %get3A_208 : vector<16xi32>
    %swap3A_210 = arith.constant 0 : index
    %swap3A_211 = tpu.vector_load %arg17[%swap3A_210] {strides = array<i32>} : memref<32xi32, #tpu.memory_space<vmem>>, vector<16xi32>,
    %swap3A_212 = vector.shape_cast %swap3A_211 : vector<16xi32> to vector<16xi32>
    %swap3A_213 = vector.shape_cast %add3A_209 : vector<16xi32> to vector<16xi32>
    tpu.vector_store %arg17[%swap3A_210], %swap3A_213 {strides = array<i32>} : memref<32xi32, #tpu.memory_space<vmem>>, vector<16xi32>,
    %get3A_214 = arith.constant 272 : index
    %get3A_215 = tpu.vector_load %arg7[%get3A_214] {strides = array<i32>} : memref<512xi32, #tpu.memory_space<vmem>>, vector<16xi32>,
    %get3A_216 = vector.shape_cast %get3A_215 : vector<16xi32> to vector<16xi32>
    %mul3A_217 = arith.muli %get3A_216, %get3A_10 : vector<16xi32>
    %get3A_218 = arith.constant 272 : index
    %get3A_219 = tpu.vector_load %arg8[%get3A_218] {strides = array<i32>} : memref<512xi32, #tpu.memory_space<vmem>>, vector<16xi32>,
    %get3A_220 = vector.shape_cast %get3A_219 : vector<16xi32> to vector<16xi32>
    %add3A_221 = arith.addi %mul3A_217, %get3A_220 : vector<16xi32>
    %swap3A_222 = arith.constant 16 : index
    %swap3A_223 = tpu.vector_load %arg17[%swap3A_222] {strides = array<i32>} : memref<32xi32, #tpu.memory_space<vmem>>, vector<16xi32>,
    %swap3A_224 = vector.shape_cast %swap3A_223 : vector<16xi32> to vector<16xi32>
    %swap3A_225 = vector.shape_cast %add3A_221 : vector<16xi32> to vector<16xi32>
    tpu.vector_store %arg17[%swap3A_222], %swap3A_225 {strides = array<i32>} : memref<32xi32, #tpu.memory_space<vmem>>, vector<16xi32>,
    %get3A_226 = arith.constant 288 : index
    %get3A_227 = tpu.vector_load %arg7[%get3A_226] {strides = array<i32>} : memref<512xi32, #tpu.memory_space<vmem>>, vector<16xi32>,
    %get3A_228 = vector.shape_cast %get3A_227 : vector<16xi32> to vector<16xi32>
    %mul3A_229 = arith.muli %get3A_228, %get3A_10 : vector<16xi32>
    %get3A_230 = arith.constant 288 : index
    %get3A_231 = tpu.vector_load %arg8[%get3A_230] {strides = array<i32>} : memref<512xi32, #tpu.memory_space<vmem>>, vector<16xi32>,
    %get3A_232 = vector.shape_cast %get3A_231 : vector<16xi32> to vector<16xi32>
    %add3A_233 = arith.addi %mul3A_229, %get3A_232 : vector<16xi32>
    %swap3A_234 = arith.constant 0 : index
    %swap3A_235 = tpu.vector_load %arg18[%swap3A_234] {strides = array<i32>} : memref<32xi32, #tpu.memory_space<vmem>>, vector<16xi32>,
    %swap3A_236 = vector.shape_cast %swap3A_235 : vector<16xi32> to vector<16xi32>
    %swap3A_237 = vector.shape_cast %add3A_233 : vector<16xi32> to vector<16xi32>
    tpu.vector_store %arg18[%swap3A_234], %swap3A_237 {strides = array<i32>} : memref<32xi32, #tpu.memory_space<vmem>>, vector<16xi32>,
    %get3A_238 = arith.constant 304 : index
    %get3A_239 = tpu.vector_load %arg7[%get3A_238] {strides = array<i32>} : memref<512xi32, #tpu.memory_space<vmem>>, vector<16xi32>,
    %get3A_240 = vector.shape_cast %get3A_239 : vector<16xi32> to vector<16xi32>
    %mul3A_241 = arith.muli %get3A_240, %get3A_10 : vector<16xi32>
    %get3A_242 = arith.constant 304 : index
    %get3A_243 = tpu.vector_load %arg8[%get3A_242] {strides = array<i32>} : memref<512xi32, #tpu.memory_space<vmem>>, vector<16xi32>,
    %get3A_244 = vector.shape_cast %get3A_243 : vector<16xi32> to vector<16xi32>
    %add3A_245 = arith.addi %mul3A_241, %get3A_244 : vector<16xi32>
    %swap3A_246 = arith.constant 16 : index
    %swap3A_247 = tpu.vector_load %arg18[%swap3A_246] {strides = array<i32>} : memref<32xi32, #tpu.memory_space<vmem>>, vector<16xi32>,
    %swap3A_248 = vector.shape_cast %swap3A_247 : vector<16xi32> to vector<16xi32>
    %swap3A_249 = vector.shape_cast %add3A_245 : vector<16xi32> to vector<16xi32>
    tpu.vector_store %arg18[%swap3A_246], %swap3A_249 {strides = array<i32>} : memref<32xi32, #tpu.memory_space<vmem>>, vector<16xi32>,
    %get3A_250 = arith.constant 320 : index
    %get3A_251 = tpu.vector_load %arg7[%get3A_250] {strides = array<i32>} : memref<512xi32, #tpu.memory_space<vmem>>, vector<16xi32>,
    %get3A_252 = vector.shape_cast %get3A_251 : vector<16xi32> to vector<16xi32>
    %mul3A_253 = arith.muli %get3A_252, %get3A_10 : vector<16xi32>
    %get3A_254 = arith.constant 320 : index
    %get3A_255 = tpu.vector_load %arg8[%get3A_254] {strides = array<i32>} : memref<512xi32, #tpu.memory_space<vmem>>, vector<16xi32>,
    %get3A_256 = vector.shape_cast %get3A_255 : vector<16xi32> to vector<16xi32>
    %add3A_257 = arith.addi %mul3A_253, %get3A_256 : vector<16xi32>
    %swap3A_258 = arith.constant 0 : index
    %swap3A_259 = tpu.vector_load %arg19[%swap3A_258] {strides = array<i32>} : memref<32xi32, #tpu.memory_space<vmem>>, vector<16xi32>,
    %swap3A_260 = vector.shape_cast %swap3A_259 : vector<16xi32> to vector<16xi32>
    %swap3A_261 = vector.shape_cast %add3A_257 : vector<16xi32> to vector<16xi32>
    tpu.vector_store %arg19[%swap3A_258], %swap3A_261 {strides = array<i32>} : memref<32xi32, #tpu.memory_space<vmem>>, vector<16xi32>,
    %get3A_262 = arith.constant 336 : index
    %get3A_263 = tpu.vector_load %arg7[%get3A_262] {strides = array<i32>} : memref<512xi32, #tpu.memory_space<vmem>>, vector<16xi32>,
    %get3A_264 = vector.shape_cast %get3A_263 : vector<16xi32> to vector<16xi32>
    %mul3A_265 = arith.muli %get3A_264, %get3A_10 : vector<16xi32>
    %get3A_266 = arith.constant 336 : index
    %get3A_267 = tpu.vector_load %arg8[%get3A_266] {strides = array<i32>} : memref<512xi32, #tpu.memory_space<vmem>>, vector<16xi32>,
    %get3A_268 = vector.shape_cast %get3A_267 : vector<16xi32> to vector<16xi32>
    %add3A_269 = arith.addi %mul3A_265, %get3A_268 : vector<16xi32>
    %swap3A_270 = arith.constant 16 : index
    %swap3A_271 = tpu.vector_load %arg19[%swap3A_270] {strides = array<i32>} : memref<32xi32, #tpu.memory_space<vmem>>, vector<16xi32>,
    %swap3A_272 = vector.shape_cast %swap3A_271 : vector<16xi32> to vector<16xi32>
    %swap3A_273 = vector.shape_cast %add3A_269 : vector<16xi32> to vector<16xi32>
    tpu.vector_store %arg19[%swap3A_270], %swap3A_273 {strides = array<i32>} : memref<32xi32, #tpu.memory_space<vmem>>, vector<16xi32>,
    %get3A_274 = arith.constant 352 : index
    %get3A_275 = tpu.vector_load %arg7[%get3A_274] {strides = array<i32>} : memref<512xi32, #tpu.memory_space<vmem>>, vector<16xi32>,
    %get3A_276 = vector.shape_cast %get3A_275 : vector<16xi32> to vector<16xi32>
    %mul3A_277 = arith.muli %get3A_276, %get3A_10 : vector<16xi32>
    %get3A_278 = arith.constant 352 : index
    %get3A_279 = tpu.vector_load %arg8[%get3A_278] {strides = array<i32>} : memref<512xi32, #tpu.memory_space<vmem>>, vector<16xi32>,
    %get3A_280 = vector.shape_cast %get3A_279 : vector<16xi32> to vector<16xi32>
    %add3A_281 = arith.addi %mul3A_277, %get3A_280 : vector<16xi32>
    %swap3A_282 = arith.constant 0 : index
    %swap3A_283 = tpu.vector_load %arg20[%swap3A_282] {strides = array<i32>} : memref<32xi32, #tpu.memory_space<vmem>>, vector<16xi32>,
    %swap3A_284 = vector.shape_cast %swap3A_283 : vector<16xi32> to vector<16xi32>
    %swap3A_285 = vector.shape_cast %add3A_281 : vector<16xi32> to vector<16xi32>
    tpu.vector_store %arg20[%swap3A_282], %swap3A_285 {strides = array<i32>} : memref<32xi32, #tpu.memory_space<vmem>>, vector<16xi32>,
    %get3A_286 = arith.constant 368 : index
    %get3A_287 = tpu.vector_load %arg7[%get3A_286] {strides = array<i32>} : memref<512xi32, #tpu.memory_space<vmem>>, vector<16xi32>,
    %get3A_288 = vector.shape_cast %get3A_287 : vector<16xi32> to vector<16xi32>
    %mul3A_289 = arith.muli %get3A_288, %get3A_10 : vector<16xi32>
    %get3A_290 = arith.constant 368 : index
    %get3A_291 = tpu.vector_load %arg8[%get3A_290] {strides = array<i32>} : memref<512xi32, #tpu.memory_space<vmem>>, vector<16xi32>,
    %get3A_292 = vector.shape_cast %get3A_291 : vector<16xi32> to vector<16xi32>
    %add3A_293 = arith.addi %mul3A_289, %get3A_292 : vector<16xi32>
    %swap3A_294 = arith.constant 16 : index
    %swap3A_295 = tpu.vector_load %arg20[%swap3A_294] {strides = array<i32>} : memref<32xi32, #tpu.memory_space<vmem>>, vector<16xi32>,
    %swap3A_296 = vector.shape_cast %swap3A_295 : vector<16xi32> to vector<16xi32>
    %swap3A_297 = vector.shape_cast %add3A_293 : vector<16xi32> to vector<16xi32>
    tpu.vector_store %arg20[%swap3A_294], %swap3A_297 {strides = array<i32>} : memref<32xi32, #tpu.memory_space<vmem>>, vector<16xi32>,
    %get3A_298 = arith.constant 384 : index
    %get3A_299 = tpu.vector_load %arg7[%get3A_298] {strides = array<i32>} : memref<512xi32, #tpu.memory_space<vmem>>, vector<16xi32>,
    %get3A_300 = vector.shape_cast %get3A_299 : vector<16xi32> to vector<16xi32>
    %mul3A_301 = arith.muli %get3A_300, %get3A_10 : vector<16xi32>
    %get3A_302 = arith.constant 384 : index
    %get3A_303 = tpu.vector_load %arg8[%get3A_302] {strides = array<i32>} : memref<512xi32, #tpu.memory_space<vmem>>, vector<16xi32>,
    %get3A_304 = vector.shape_cast %get3A_303 : vector<16xi32> to vector<16xi32>
    %add3A_305 = arith.addi %mul3A_301, %get3A_304 : vector<16xi32>
    %swap3A_306 = arith.constant 0 : index
    %swap3A_307 = tpu.vector_load %arg21[%swap3A_306] {strides = array<i32>} : memref<32xi32, #tpu.memory_space<vmem>>, vector<16xi32>,
    %swap3A_308 = vector.shape_cast %swap3A_307 : vector<16xi32> to vector<16xi32>
    %swap3A_309 = vector.shape_cast %add3A_305 : vector<16xi32> to vector<16xi32>
    tpu.vector_store %arg21[%swap3A_306], %swap3A_309 {strides = array<i32>} : memref<32xi32, #tpu.memory_space<vmem>>, vector<16xi32>,
    %get3A_310 = arith.constant 400 : index
    %get3A_311 = tpu.vector_load %arg7[%get3A_310] {strides = array<i32>} : memref<512xi32, #tpu.memory_space<vmem>>, vector<16xi32>,
    %get3A_312 = vector.shape_cast %get3A_311 : vector<16xi32> to vector<16xi32>
    %mul3A_313 = arith.muli %get3A_312, %get3A_10 : vector<16xi32>
    %get3A_314 = arith.constant 400 : index
    %get3A_315 = tpu.vector_load %arg8[%get3A_314] {strides = array<i32>} : memref<512xi32, #tpu.memory_space<vmem>>, vector<16xi32>,
    %get3A_316 = vector.shape_cast %get3A_315 : vector<16xi32> to vector<16xi32>
    %add3A_317 = arith.addi %mul3A_313, %get3A_316 : vector<16xi32>
    %swap3A_318 = arith.constant 16 : index
    %swap3A_319 = tpu.vector_load %arg21[%swap3A_318] {strides = array<i32>} : memref<32xi32, #tpu.memory_space<vmem>>, vector<16xi32>,
    %swap3A_320 = vector.shape_cast %swap3A_319 : vector<16xi32> to vector<16xi32>
    %swap3A_321 = vector.shape_cast %add3A_317 : vector<16xi32> to vector<16xi32>
    tpu.vector_store %arg21[%swap3A_318], %swap3A_321 {strides = array<i32>} : memref<32xi32, #tpu.memory_space<vmem>>, vector<16xi32>,
    %get3A_322 = arith.constant 416 : index
    %get3A_323 = tpu.vector_load %arg7[%get3A_322] {strides = array<i32>} : memref<512xi32, #tpu.memory_space<vmem>>, vector<16xi32>,
    %get3A_324 = vector.shape_cast %get3A_323 : vector<16xi32> to vector<16xi32>
    %mul3A_325 = arith.muli %get3A_324, %get3A_10 : vector<16xi32>
    %get3A_326 = arith.constant 416 : index
    %get3A_327 = tpu.vector_load %arg8[%get3A_326] {strides = array<i32>} : memref<512xi32, #tpu.memory_space<vmem>>, vector<16xi32>,
    %get3A_328 = vector.shape_cast %get3A_327 : vector<16xi32> to vector<16xi32>
    %add3A_329 = arith.addi %mul3A_325, %get3A_328 : vector<16xi32>
    %swap3A_330 = arith.constant 0 : index
    %swap3A_331 = tpu.vector_load %arg22[%swap3A_330] {strides = array<i32>} : memref<32xi32, #tpu.memory_space<vmem>>, vector<16xi32>,
    %swap3A_332 = vector.shape_cast %swap3A_331 : vector<16xi32> to vector<16xi32>
    %swap3A_333 = vector.shape_cast %add3A_329 : vector<16xi32> to vector<16xi32>
    tpu.vector_store %arg22[%swap3A_330], %swap3A_333 {strides = array<i32>} : memref<32xi32, #tpu.memory_space<vmem>>, vector<16xi32>,
    %get3A_334 = arith.constant 432 : index
    %get3A_335 = tpu.vector_load %arg7[%get3A_334] {strides = array<i32>} : memref<512xi32, #tpu.memory_space<vmem>>, vector<16xi32>,
    %get3A_336 = vector.shape_cast %get3A_335 : vector<16xi32> to vector<16xi32>
    %mul3A_337 = arith.muli %get3A_336, %get3A_10 : vector<16xi32>
    %get3A_338 = arith.constant 432 : index
    %get3A_339 = tpu.vector_load %arg8[%get3A_338] {strides = array<i32>} : memref<512xi32, #tpu.memory_space<vmem>>, vector<16xi32>,
    %get3A_340 = vector.shape_cast %get3A_339 : vector<16xi32> to vector<16xi32>
    %add3A_341 = arith.addi %mul3A_337, %get3A_340 : vector<16xi32>
    %swap3A_342 = arith.constant 16 : index
    %swap3A_343 = tpu.vector_load %arg22[%swap3A_342] {strides = array<i32>} : memref<32xi32, #tpu.memory_space<vmem>>, vector<16xi32>,
    %swap3A_344 = vector.shape_cast %swap3A_343 : vector<16xi32> to vector<16xi32>
    %swap3A_345 = vector.shape_cast %add3A_341 : vector<16xi32> to vector<16xi32>
    tpu.vector_store %arg22[%swap3A_342], %swap3A_345 {strides = array<i32>} : memref<32xi32, #tpu.memory_space<vmem>>, vector<16xi32>,
    %get3A_346 = arith.constant 448 : index
    %get3A_347 = tpu.vector_load %arg7[%get3A_346] {strides = array<i32>} : memref<512xi32, #tpu.memory_space<vmem>>, vector<16xi32>,
    %get3A_348 = vector.shape_cast %get3A_347 : vector<16xi32> to vector<16xi32>
    %mul3A_349 = arith.muli %get3A_348, %get3A_10 : vector<16xi32>
    %get3A_350 = arith.constant 448 : index
    %get3A_351 = tpu.vector_load %arg8[%get3A_350] {strides = array<i32>} : memref<512xi32, #tpu.memory_space<vmem>>, vector<16xi32>,
    %get3A_352 = vector.shape_cast %get3A_351 : vector<16xi32> to vector<16xi32>
    %add3A_353 = arith.addi %mul3A_349, %get3A_352 : vector<16xi32>
    %swap3A_354 = arith.constant 0 : index
    %swap3A_355 = tpu.vector_load %arg23[%swap3A_354] {strides = array<i32>} : memref<32xi32, #tpu.memory_space<vmem>>, vector<16xi32>,
    %swap3A_356 = vector.shape_cast %swap3A_355 : vector<16xi32> to vector<16xi32>
    %swap3A_357 = vector.shape_cast %add3A_353 : vector<16xi32> to vector<16xi32>
    tpu.vector_store %arg23[%swap3A_354], %swap3A_357 {strides = array<i32>} : memref<32xi32, #tpu.memory_space<vmem>>, vector<16xi32>,
    %get3A_358 = arith.constant 464 : index
    %get3A_359 = tpu.vector_load %arg7[%get3A_358] {strides = array<i32>} : memref<512xi32, #tpu.memory_space<vmem>>, vector<16xi32>,
    %get3A_360 = vector.shape_cast %get3A_359 : vector<16xi32> to vector<16xi32>
    %mul3A_361 = arith.muli %get3A_360, %get3A_10 : vector<16xi32>
    %get3A_362 = arith.constant 464 : index
    %get3A_363 = tpu.vector_load %arg8[%get3A_362] {strides = array<i32>} : memref<512xi32, #tpu.memory_space<vmem>>, vector<16xi32>,
    %get3A_364 = vector.shape_cast %get3A_363 : vector<16xi32> to vector<16xi32>
    %add3A_365 = arith.addi %mul3A_361, %get3A_364 : vector<16xi32>
    %swap3A_366 = arith.constant 16 : index
    %swap3A_367 = tpu.vector_load %arg23[%swap3A_366] {strides = array<i32>} : memref<32xi32, #tpu.memory_space<vmem>>, vector<16xi32>,
    %swap3A_368 = vector.shape_cast %swap3A_367 : vector<16xi32> to vector<16xi32>
    %swap3A_369 = vector.shape_cast %add3A_365 : vector<16xi32> to vector<16xi32>
    tpu.vector_store %arg23[%swap3A_366], %swap3A_369 {strides = array<i32>} : memref<32xi32, #tpu.memory_space<vmem>>, vector<16xi32>,
    %get3A_370 = arith.constant 480 : index
    %get3A_371 = tpu.vector_load %arg7[%get3A_370] {strides = array<i32>} : memref<512xi32, #tpu.memory_space<vmem>>, vector<16xi32>,
    %get3A_372 = vector.shape_cast %get3A_371 : vector<16xi32> to vector<16xi32>
    %mul3A_373 = arith.muli %get3A_372, %get3A_10 : vector<16xi32>
    %get3A_374 = arith.constant 480 : index
    %get3A_375 = tpu.vector_load %arg8[%get3A_374] {strides = array<i32>} : memref<512xi32, #tpu.memory_space<vmem>>, vector<16xi32>,
    %get3A_376 = vector.shape_cast %get3A_375 : vector<16xi32> to vector<16xi32>
    %add3A_377 = arith.addi %mul3A_373, %get3A_376 : vector<16xi32>
    %swap3A_378 = arith.constant 0 : index
    %swap3A_379 = tpu.vector_load %arg24[%swap3A_378] {strides = array<i32>} : memref<32xi32, #tpu.memory_space<vmem>>, vector<16xi32>,
    %swap3A_380 = vector.shape_cast %swap3A_379 : vector<16xi32> to vector<16xi32>
    %swap3A_381 = vector.shape_cast %add3A_377 : vector<16xi32> to vector<16xi32>
    tpu.vector_store %arg24[%swap3A_378], %swap3A_381 {strides = array<i32>} : memref<32xi32, #tpu.memory_space<vmem>>, vector<16xi32>,
    %get3A_382 = arith.constant 496 : index
    %get3A_383 = tpu.vector_load %arg7[%get3A_382] {strides = array<i32>} : memref<512xi32, #tpu.memory_space<vmem>>, vector<16xi32>,
    %get3A_384 = vector.shape_cast %get3A_383 : vector<16xi32> to vector<16xi32>
    %mul3A_385 = arith.muli %get3A_384, %get3A_10 : vector<16xi32>
    %get3A_386 = arith.constant 496 : index
    %get3A_387 = tpu.vector_load %arg8[%get3A_386] {strides = array<i32>} : memref<512xi32, #tpu.memory_space<vmem>>, vector<16xi32>,
    %get3A_388 = vector.shape_cast %get3A_387 : vector<16xi32> to vector<16xi32>
    %add3A_389 = arith.addi %mul3A_385, %get3A_388 : vector<16xi32>
    %swap3A_390 = arith.constant 16 : index
    %swap3A_391 = tpu.vector_load %arg24[%swap3A_390] {strides = array<i32>} : memref<32xi32, #tpu.memory_space<vmem>>, vector<16xi32>,
    %swap3A_392 = vector.shape_cast %swap3A_391 : vector<16xi32> to vector<16xi32>
    %swap3A_393 = vector.shape_cast %add3A_389 : vector<16xi32> to vector<16xi32>
    tpu.vector_store %arg24[%swap3A_390], %swap3A_393 {strides = array<i32>} : memref<32xi32, #tpu.memory_space<vmem>>, vector<16xi32>,
    %dma_start3A_394 = arith.constant 0 : i32
    %dma_start3A_395 = arith.constant 0 : i32
    %dma_start3A_396 = arith.constant 0 : i32
    %dma_start3A_397 = arith.constant 0 : i32
    %dma_start3A_398 = tpu.memref_slice %arg26[%dma_start3A_394, %dma_start3A_395, %dma_start3A_396, %dma_start3A_397] : memref<3x32x8x128xf32, #tpu.memory_space<vmem>> -> memref<1x32x8x128xf32, #tpu.memory_space<vmem>>
    %dma_start3A_399 = tpu.memref_squeeze %dma_start3A_398 : memref<1x32x8x128xf32, #tpu.memory_space<vmem>> -> memref<32x8x128xf32, #tpu.memory_space<vmem>>
    %dma_start3A_400 = arith.constant 0 : i32
    %dma_start3A_401 = arith.constant 0 : i32
    %dma_start3A_402 = arith.constant 0 : i32
    %dma_start3A_403 = tpu.memref_slice %arg2[%dma_start3A_400, %dma_start3A_401, %dma_start3A_402] : memref<100000x8x128xf32, #tpu.memory_space<hbm>> -> memref<100000x8x128xf32, #tpu.memory_space<hbm>>
    tpu.enqueue_indirect_dma source(%dma_start3A_403 : memref<100000x8x128xf32, #tpu.memory_space<hbm>>) target(%dma_start3A_399 : memref<32x8x128xf32, #tpu.memory_space<vmem>>) offsets(%arg9 : memref<32xi32, #tpu.memory_space<vmem>>) semaphore(%arg27 : memref<!tpu.dma_semaphore, #tpu.memory_space<semaphore_mem>>)
    %dma_start3A_404 = arith.constant 1 : i32
    %dma_start3A_405 = arith.constant 0 : i32
    %dma_start3A_406 = arith.constant 0 : i32
    %dma_start3A_407 = arith.constant 0 : i32
    %dma_start3A_408 = tpu.memref_slice %arg26[%dma_start3A_404, %dma_start3A_405, %dma_start3A_406, %dma_start3A_407] : memref<3x32x8x128xf32, #tpu.memory_space<vmem>> -> memref<1x32x8x128xf32, #tpu.memory_space<vmem>>
    %dma_start3A_409 = tpu.memref_squeeze %dma_start3A_408 : memref<1x32x8x128xf32, #tpu.memory_space<vmem>> -> memref<32x8x128xf32, #tpu.memory_space<vmem>>
    %dma_start3A_410 = arith.constant 0 : i32
    %dma_start3A_411 = arith.constant 0 : i32
    %dma_start3A_412 = arith.constant 0 : i32
    %dma_start3A_413 = tpu.memref_slice %arg2[%dma_start3A_410, %dma_start3A_411, %dma_start3A_412] : memref<100000x8x128xf32, #tpu.memory_space<hbm>> -> memref<100000x8x128xf32, #tpu.memory_space<hbm>>
    tpu.enqueue_indirect_dma source(%dma_start3A_413 : memref<100000x8x128xf32, #tpu.memory_space<hbm>>) target(%dma_start3A_409 : memref<32x8x128xf32, #tpu.memory_space<vmem>>) offsets(%arg10 : memref<32xi32, #tpu.memory_space<vmem>>) semaphore(%arg28 : memref<!tpu.dma_semaphore, #tpu.memory_space<semaphore_mem>>)
    %dma_start3A_414 = arith.constant 2 : i32
    %dma_start3A_415 = arith.constant 0 : i32
    %dma_start3A_416 = arith.constant 0 : i32
    %dma_start3A_417 = arith.constant 0 : i32
    %dma_start3A_418 = tpu.memref_slice %arg26[%dma_start3A_414, %dma_start3A_415, %dma_start3A_416, %dma_start3A_417] : memref<3x32x8x128xf32, #tpu.memory_space<vmem>> -> memref<1x32x8x128xf32, #tpu.memory_space<vmem>>
    %dma_start3A_419 = tpu.memref_squeeze %dma_start3A_418 : memref<1x32x8x128xf32, #tpu.memory_space<vmem>> -> memref<32x8x128xf32, #tpu.memory_space<vmem>>
    %dma_start3A_420 = arith.constant 0 : i32
    %dma_start3A_421 = arith.constant 0 : i32
    %dma_start3A_422 = arith.constant 0 : i32
    %dma_start3A_423 = tpu.memref_slice %arg2[%dma_start3A_420, %dma_start3A_421, %dma_start3A_422] : memref<100000x8x128xf32, #tpu.memory_space<hbm>> -> memref<100000x8x128xf32, #tpu.memory_space<hbm>>
    tpu.enqueue_indirect_dma source(%dma_start3A_423 : memref<100000x8x128xf32, #tpu.memory_space<hbm>>) target(%dma_start3A_419 : memref<32x8x128xf32, #tpu.memory_space<vmem>>) offsets(%arg11 : memref<32xi32, #tpu.memory_space<vmem>>) semaphore(%arg29 : memref<!tpu.dma_semaphore, #tpu.memory_space<semaphore_mem>>)
    %dma_wait3A_424 = arith.constant 0 : i32
    %dma_wait3A_425 = arith.constant 0 : i32
    %dma_wait3A_426 = arith.constant 0 : i32
    %dma_wait3A_427 = arith.constant 0 : i32
    %dma_wait3A_428 = tpu.memref_slice %arg26[%dma_wait3A_424, %dma_wait3A_425, %dma_wait3A_426, %dma_wait3A_427] : memref<3x32x8x128xf32, #tpu.memory_space<vmem>> -> memref<1x32x8x128xf32, #tpu.memory_space<vmem>>
    %dma_wait3A_429 = tpu.memref_squeeze %dma_wait3A_428 : memref<1x32x8x128xf32, #tpu.memory_space<vmem>> -> memref<32x8x128xf32, #tpu.memory_space<vmem>>
    %dma_wait3A_430 = arith.constant 0 : i32
    %dma_wait3A_431 = arith.constant 0 : i32
    %dma_wait3A_432 = arith.constant 0 : i32
    %dma_wait3A_433 = tpu.memref_slice %arg2[%dma_wait3A_430, %dma_wait3A_431, %dma_wait3A_432] : memref<100000x8x128xf32, #tpu.memory_space<hbm>> -> memref<100000x8x128xf32, #tpu.memory_space<hbm>>
    tpu.wait_indirect_dma semaphore(%arg27 : memref<!tpu.dma_semaphore, #tpu.memory_space<semaphore_mem>>) src(%dma_wait3A_433 : memref<100000x8x128xf32, #tpu.memory_space<hbm>>) dst(%dma_wait3A_429 : memref<32x8x128xf32, #tpu.memory_space<vmem>>)
    %add3A_434 = arith.constant 0 : i32
    %add3A_435 = arith.addi %mul3A_2, %add3A_434 : i32
    %dma_start3A_436 = arith.constant 0 : i32
    %dma_start3A_437 = arith.constant 0 : i32
    %dma_start3A_438 = arith.constant 0 : i32
    %dma_start3A_439 = arith.constant 0 : i32
    %dma_start3A_440 = tpu.memref_slice %arg26[%dma_start3A_436, %dma_start3A_437, %dma_start3A_438, %dma_start3A_439] : memref<3x32x8x128xf32, #tpu.memory_space<vmem>> -> memref<1x32x8x128xf32, #tpu.memory_space<vmem>>
    %dma_start3A_441 = tpu.memref_squeeze %dma_start3A_440 : memref<1x32x8x128xf32, #tpu.memory_space<vmem>> -> memref<32x8x128xf32, #tpu.memory_space<vmem>>
    %dma_start3A_442 = arith.constant 0 : i32
    %dma_start3A_443 = arith.constant 0 : i32
    %dma_start3A_444 = tpu.memref_slice %arg6[%add3A_435, %dma_start3A_442, %dma_start3A_443] : memref<16384x8x128xf32, #tpu.memory_space<hbm>> -> memref<32x8x128xf32, #tpu.memory_space<hbm>>
    %dma_start3A_445 = arith.constant 0 : i32
    %dma_start3A_446 = arith.constant 0 : i32
    %dma_start3A_447 = tpu.memref_slice %arg6[%add3A_435, %dma_start3A_445, %dma_start3A_446] : memref<16384x8x128xf32, #tpu.memory_space<hbm>> -> memref<32x8x128xf32, #tpu.memory_space<hbm>>
    %dma_start3A_448 = arith.constant 0 : i32
    %dma_start3A_449 = arith.constant 0 : i32
    %dma_start3A_450 = arith.constant 0 : i32
    %dma_start3A_451 = tpu.memref_slice %arg26[%dma_start3A_436, %dma_start3A_448, %dma_start3A_449, %dma_start3A_450] : memref<3x32x8x128xf32, #tpu.memory_space<vmem>> -> memref<1x32x8x128xf32, #tpu.memory_space<vmem>>
    %dma_start3A_452 = tpu.memref_squeeze %dma_start3A_451 : memref<1x32x8x128xf32, #tpu.memory_space<vmem>> -> memref<32x8x128xf32, #tpu.memory_space<vmem>>
    tpu.enqueue_dma source(%dma_start3A_452 : memref<32x8x128xf32, #tpu.memory_space<vmem>>) target(%dma_start3A_447 : memref<32x8x128xf32, #tpu.memory_space<hbm>>) target_semaphore(%arg30 : memref<!tpu.dma_semaphore, #tpu.memory_space<semaphore_mem>>)
    %dma_wait3A_453 = arith.constant 0 : i32
    %dma_wait3A_454 = arith.constant 0 : i32
    %dma_wait3A_455 = arith.constant 0 : i32
    %dma_wait3A_456 = arith.constant 0 : i32
    %dma_wait3A_457 = tpu.memref_slice %arg26[%dma_wait3A_453, %dma_wait3A_454, %dma_wait3A_455, %dma_wait3A_456] : memref<3x32x8x128xf32, #tpu.memory_space<vmem>> -> memref<1x32x8x128xf32, #tpu.memory_space<vmem>>
    %dma_wait3A_458 = tpu.memref_squeeze %dma_wait3A_457 : memref<1x32x8x128xf32, #tpu.memory_space<vmem>> -> memref<32x8x128xf32, #tpu.memory_space<vmem>>
    %dma_wait3A_459 = arith.constant 0 : i32
    %dma_wait3A_460 = arith.constant 0 : i32
    %dma_wait3A_461 = tpu.memref_slice %arg6[%add3A_435, %dma_wait3A_459, %dma_wait3A_460] : memref<16384x8x128xf32, #tpu.memory_space<hbm>> -> memref<32x8x128xf32, #tpu.memory_space<hbm>>
    %dma_wait3A_462 = arith.constant 0 : i32
    %dma_wait3A_463 = arith.constant 0 : i32
    %dma_wait3A_464 = tpu.memref_slice %arg6[%add3A_435, %dma_wait3A_462, %dma_wait3A_463] : memref<16384x8x128xf32, #tpu.memory_space<hbm>> -> memref<32x8x128xf32, #tpu.memory_space<hbm>>
    %dma_wait3A_465 = arith.constant 0 : i32
    %dma_wait3A_466 = arith.constant 0 : i32
    %dma_wait3A_467 = arith.constant 0 : i32
    %dma_wait3A_468 = tpu.memref_slice %arg26[%dma_wait3A_453, %dma_wait3A_465, %dma_wait3A_466, %dma_wait3A_467] : memref<3x32x8x128xf32, #tpu.memory_space<vmem>> -> memref<1x32x8x128xf32, #tpu.memory_space<vmem>>
    %dma_wait3A_469 = tpu.memref_squeeze %dma_wait3A_468 : memref<1x32x8x128xf32, #tpu.memory_space<vmem>> -> memref<32x8x128xf32, #tpu.memory_space<vmem>>
    tpu.wait_dma2 semaphore(%arg30 : memref<!tpu.dma_semaphore, #tpu.memory_space<semaphore_mem>>) src(%dma_wait3A_469 : memref<32x8x128xf32, #tpu.memory_space<vmem>>) dst(%dma_wait3A_464 : memref<32x8x128xf32, #tpu.memory_space<hbm>>)
    %dma_start3A_470 = arith.constant 0 : i32
    %dma_start3A_471 = arith.constant 0 : i32
    %dma_start3A_472 = arith.constant 0 : i32
    %dma_start3A_473 = arith.constant 0 : i32
    %dma_start3A_474 = tpu.memref_slice %arg26[%dma_start3A_470, %dma_start3A_471, %dma_start3A_472, %dma_start3A_473] : memref<3x32x8x128xf32, #tpu.memory_space<vmem>> -> memref<1x32x8x128xf32, #tpu.memory_space<vmem>>
    %dma_start3A_475 = tpu.memref_squeeze %dma_start3A_474 : memref<1x32x8x128xf32, #tpu.memory_space<vmem>> -> memref<32x8x128xf32, #tpu.memory_space<vmem>>
    %dma_start3A_476 = arith.constant 0 : i32
    %dma_start3A_477 = arith.constant 0 : i32
    %dma_start3A_478 = arith.constant 0 : i32
    %dma_start3A_479 = tpu.memref_slice %arg2[%dma_start3A_476, %dma_start3A_477, %dma_start3A_478] : memref<100000x8x128xf32, #tpu.memory_space<hbm>> -> memref<100000x8x128xf32, #tpu.memory_space<hbm>>
    tpu.enqueue_indirect_dma source(%dma_start3A_479 : memref<100000x8x128xf32, #tpu.memory_space<hbm>>) target(%dma_start3A_475 : memref<32x8x128xf32, #tpu.memory_space<vmem>>) offsets(%arg12 : memref<32xi32, #tpu.memory_space<vmem>>) semaphore(%arg27 : memref<!tpu.dma_semaphore, #tpu.memory_space<semaphore_mem>>)
    %dma_wait3A_480 = arith.constant 1 : i32
    %dma_wait3A_481 = arith.constant 0 : i32
    %dma_wait3A_482 = arith.constant 0 : i32
    %dma_wait3A_483 = arith.constant 0 : i32
    %dma_wait3A_484 = tpu.memref_slice %arg26[%dma_wait3A_480, %dma_wait3A_481, %dma_wait3A_482, %dma_wait3A_483] : memref<3x32x8x128xf32, #tpu.memory_space<vmem>> -> memref<1x32x8x128xf32, #tpu.memory_space<vmem>>
    %dma_wait3A_485 = tpu.memref_squeeze %dma_wait3A_484 : memref<1x32x8x128xf32, #tpu.memory_space<vmem>> -> memref<32x8x128xf32, #tpu.memory_space<vmem>>
    %dma_wait3A_486 = arith.constant 0 : i32
    %dma_wait3A_487 = arith.constant 0 : i32
    %dma_wait3A_488 = arith.constant 0 : i32
    %dma_wait3A_489 = tpu.memref_slice %arg2[%dma_wait3A_486, %dma_wait3A_487, %dma_wait3A_488] : memref<100000x8x128xf32, #tpu.memory_space<hbm>> -> memref<100000x8x128xf32, #tpu.memory_space<hbm>>
    tpu.wait_indirect_dma semaphore(%arg28 : memref<!tpu.dma_semaphore, #tpu.memory_space<semaphore_mem>>) src(%dma_wait3A_489 : memref<100000x8x128xf32, #tpu.memory_space<hbm>>) dst(%dma_wait3A_485 : memref<32x8x128xf32, #tpu.memory_space<vmem>>)
    %add3A_490 = arith.constant 32 : i32
    %add3A_491 = arith.addi %mul3A_2, %add3A_490 : i32
    %dma_start3A_492 = arith.constant 1 : i32
    %dma_start3A_493 = arith.constant 0 : i32
    %dma_start3A_494 = arith.constant 0 : i32
    %dma_start3A_495 = arith.constant 0 : i32
    %dma_start3A_496 = tpu.memref_slice %arg26[%dma_start3A_492, %dma_start3A_493, %dma_start3A_494, %dma_start3A_495] : memref<3x32x8x128xf32, #tpu.memory_space<vmem>> -> memref<1x32x8x128xf32, #tpu.memory_space<vmem>>
    %dma_start3A_497 = tpu.memref_squeeze %dma_start3A_496 : memref<1x32x8x128xf32, #tpu.memory_space<vmem>> -> memref<32x8x128xf32, #tpu.memory_space<vmem>>
    %dma_start3A_498 = arith.constant 0 : i32
    %dma_start3A_499 = arith.constant 0 : i32
    %dma_start3A_500 = tpu.memref_slice %arg6[%add3A_491, %dma_start3A_498, %dma_start3A_499] : memref<16384x8x128xf32, #tpu.memory_space<hbm>> -> memref<32x8x128xf32, #tpu.memory_space<hbm>>
    %dma_start3A_501 = arith.constant 0 : i32
    %dma_start3A_502 = arith.constant 0 : i32
    %dma_start3A_503 = tpu.memref_slice %arg6[%add3A_491, %dma_start3A_501, %dma_start3A_502] : memref<16384x8x128xf32, #tpu.memory_space<hbm>> -> memref<32x8x128xf32, #tpu.memory_space<hbm>>
    %dma_start3A_504 = arith.constant 0 : i32
    %dma_start3A_505 = arith.constant 0 : i32
    %dma_start3A_506 = arith.constant 0 : i32
    %dma_start3A_507 = tpu.memref_slice %arg26[%dma_start3A_492, %dma_start3A_504, %dma_start3A_505, %dma_start3A_506] : memref<3x32x8x128xf32, #tpu.memory_space<vmem>> -> memref<1x32x8x128xf32, #tpu.memory_space<vmem>>
    %dma_start3A_508 = tpu.memref_squeeze %dma_start3A_507 : memref<1x32x8x128xf32, #tpu.memory_space<vmem>> -> memref<32x8x128xf32, #tpu.memory_space<vmem>>
    tpu.enqueue_dma source(%dma_start3A_508 : memref<32x8x128xf32, #tpu.memory_space<vmem>>) target(%dma_start3A_503 : memref<32x8x128xf32, #tpu.memory_space<hbm>>) target_semaphore(%arg31 : memref<!tpu.dma_semaphore, #tpu.memory_space<semaphore_mem>>)
    %dma_wait3A_509 = arith.constant 1 : i32
    %dma_wait3A_510 = arith.constant 0 : i32
    %dma_wait3A_511 = arith.constant 0 : i32
    %dma_wait3A_512 = arith.constant 0 : i32
    %dma_wait3A_513 = tpu.memref_slice %arg26[%dma_wait3A_509, %dma_wait3A_510, %dma_wait3A_511, %dma_wait3A_512] : memref<3x32x8x128xf32, #tpu.memory_space<vmem>> -> memref<1x32x8x128xf32, #tpu.memory_space<vmem>>
    %dma_wait3A_514 = tpu.memref_squeeze %dma_wait3A_513 : memref<1x32x8x128xf32, #tpu.memory_space<vmem>> -> memref<32x8x128xf32, #tpu.memory_space<vmem>>
    %dma_wait3A_515 = arith.constant 0 : i32
    %dma_wait3A_516 = arith.constant 0 : i32
    %dma_wait3A_517 = tpu.memref_slice %arg6[%add3A_491, %dma_wait3A_515, %dma_wait3A_516] : memref<16384x8x128xf32, #tpu.memory_space<hbm>> -> memref<32x8x128xf32, #tpu.memory_space<hbm>>
    %dma_wait3A_518 = arith.constant 0 : i32
    %dma_wait3A_519 = arith.constant 0 : i32
    %dma_wait3A_520 = tpu.memref_slice %arg6[%add3A_491, %dma_wait3A_518, %dma_wait3A_519] : memref<16384x8x128xf32, #tpu.memory_space<hbm>> -> memref<32x8x128xf32, #tpu.memory_space<hbm>>
    %dma_wait3A_521 = arith.constant 0 : i32
    %dma_wait3A_522 = arith.constant 0 : i32
    %dma_wait3A_523 = arith.constant 0 : i32
    %dma_wait3A_524 = tpu.memref_slice %arg26[%dma_wait3A_509, %dma_wait3A_521, %dma_wait3A_522, %dma_wait3A_523] : memref<3x32x8x128xf32, #tpu.memory_space<vmem>> -> memref<1x32x8x128xf32, #tpu.memory_space<vmem>>
    %dma_wait3A_525 = tpu.memref_squeeze %dma_wait3A_524 : memref<1x32x8x128xf32, #tpu.memory_space<vmem>> -> memref<32x8x128xf32, #tpu.memory_space<vmem>>
    tpu.wait_dma2 semaphore(%arg31 : memref<!tpu.dma_semaphore, #tpu.memory_space<semaphore_mem>>) src(%dma_wait3A_525 : memref<32x8x128xf32, #tpu.memory_space<vmem>>) dst(%dma_wait3A_520 : memref<32x8x128xf32, #tpu.memory_space<hbm>>)
    %dma_start3A_526 = arith.constant 1 : i32
    %dma_start3A_527 = arith.constant 0 : i32
    %dma_start3A_528 = arith.constant 0 : i32
    %dma_start3A_529 = arith.constant 0 : i32
    %dma_start3A_530 = tpu.memref_slice %arg26[%dma_start3A_526, %dma_start3A_527, %dma_start3A_528, %dma_start3A_529] : memref<3x32x8x128xf32, #tpu.memory_space<vmem>> -> memref<1x32x8x128xf32, #tpu.memory_space<vmem>>
    %dma_start3A_531 = tpu.memref_squeeze %dma_start3A_530 : memref<1x32x8x128xf32, #tpu.memory_space<vmem>> -> memref<32x8x128xf32, #tpu.memory_space<vmem>>
    %dma_start3A_532 = arith.constant 0 : i32
    %dma_start3A_533 = arith.constant 0 : i32
    %dma_start3A_534 = arith.constant 0 : i32
    %dma_start3A_535 = tpu.memref_slice %arg2[%dma_start3A_532, %dma_start3A_533, %dma_start3A_534] : memref<100000x8x128xf32, #tpu.memory_space<hbm>> -> memref<100000x8x128xf32, #tpu.memory_space<hbm>>
    tpu.enqueue_indirect_dma source(%dma_start3A_535 : memref<100000x8x128xf32, #tpu.memory_space<hbm>>) target(%dma_start3A_531 : memref<32x8x128xf32, #tpu.memory_space<vmem>>) offsets(%arg13 : memref<32xi32, #tpu.memory_space<vmem>>) semaphore(%arg28 : memref<!tpu.dma_semaphore, #tpu.memory_space<semaphore_mem>>)
    %dma_wait3A_536 = arith.constant 2 : i32
    %dma_wait3A_537 = arith.constant 0 : i32
    %dma_wait3A_538 = arith.constant 0 : i32
    %dma_wait3A_539 = arith.constant 0 : i32
    %dma_wait3A_540 = tpu.memref_slice %arg26[%dma_wait3A_536, %dma_wait3A_537, %dma_wait3A_538, %dma_wait3A_539] : memref<3x32x8x128xf32, #tpu.memory_space<vmem>> -> memref<1x32x8x128xf32, #tpu.memory_space<vmem>>
    %dma_wait3A_541 = tpu.memref_squeeze %dma_wait3A_540 : memref<1x32x8x128xf32, #tpu.memory_space<vmem>> -> memref<32x8x128xf32, #tpu.memory_space<vmem>>
    %dma_wait3A_542 = arith.constant 0 : i32
    %dma_wait3A_543 = arith.constant 0 : i32
    %dma_wait3A_544 = arith.constant 0 : i32
    %dma_wait3A_545 = tpu.memref_slice %arg2[%dma_wait3A_542, %dma_wait3A_543, %dma_wait3A_544] : memref<100000x8x128xf32, #tpu.memory_space<hbm>> -> memref<100000x8x128xf32, #tpu.memory_space<hbm>>
    tpu.wait_indirect_dma semaphore(%arg29 : memref<!tpu.dma_semaphore, #tpu.memory_space<semaphore_mem>>) src(%dma_wait3A_545 : memref<100000x8x128xf32, #tpu.memory_space<hbm>>) dst(%dma_wait3A_541 : memref<32x8x128xf32, #tpu.memory_space<vmem>>)
    %add3A_546 = arith.constant 64 : i32
    %add3A_547 = arith.addi %mul3A_2, %add3A_546 : i32
    %dma_start3A_548 = arith.constant 2 : i32
    %dma_start3A_549 = arith.constant 0 : i32
    %dma_start3A_550 = arith.constant 0 : i32
    %dma_start3A_551 = arith.constant 0 : i32
    %dma_start3A_552 = tpu.memref_slice %arg26[%dma_start3A_548, %dma_start3A_549, %dma_start3A_550, %dma_start3A_551] : memref<3x32x8x128xf32, #tpu.memory_space<vmem>> -> memref<1x32x8x128xf32, #tpu.memory_space<vmem>>
    %dma_start3A_553 = tpu.memref_squeeze %dma_start3A_552 : memref<1x32x8x128xf32, #tpu.memory_space<vmem>> -> memref<32x8x128xf32, #tpu.memory_space<vmem>>
    %dma_start3A_554 = arith.constant 0 : i32
    %dma_start3A_555 = arith.constant 0 : i32
    %dma_start3A_556 = tpu.memref_slice %arg6[%add3A_547, %dma_start3A_554, %dma_start3A_555] : memref<16384x8x128xf32, #tpu.memory_space<hbm>> -> memref<32x8x128xf32, #tpu.memory_space<hbm>>
    %dma_start3A_557 = arith.constant 0 : i32
    %dma_start3A_558 = arith.constant 0 : i32
    %dma_start3A_559 = tpu.memref_slice %arg6[%add3A_547, %dma_start3A_557, %dma_start3A_558] : memref<16384x8x128xf32, #tpu.memory_space<hbm>> -> memref<32x8x128xf32, #tpu.memory_space<hbm>>
    %dma_start3A_560 = arith.constant 0 : i32
    %dma_start3A_561 = arith.constant 0 : i32
    %dma_start3A_562 = arith.constant 0 : i32
    %dma_start3A_563 = tpu.memref_slice %arg26[%dma_start3A_548, %dma_start3A_560, %dma_start3A_561, %dma_start3A_562] : memref<3x32x8x128xf32, #tpu.memory_space<vmem>> -> memref<1x32x8x128xf32, #tpu.memory_space<vmem>>
    %dma_start3A_564 = tpu.memref_squeeze %dma_start3A_563 : memref<1x32x8x128xf32, #tpu.memory_space<vmem>> -> memref<32x8x128xf32, #tpu.memory_space<vmem>>
    tpu.enqueue_dma source(%dma_start3A_564 : memref<32x8x128xf32, #tpu.memory_space<vmem>>) target(%dma_start3A_559 : memref<32x8x128xf32, #tpu.memory_space<hbm>>) target_semaphore(%arg32 : memref<!tpu.dma_semaphore, #tpu.memory_space<semaphore_mem>>)
    %dma_wait3A_565 = arith.constant 2 : i32
    %dma_wait3A_566 = arith.constant 0 : i32
    %dma_wait3A_567 = arith.constant 0 : i32
    %dma_wait3A_568 = arith.constant 0 : i32
    %dma_wait3A_569 = tpu.memref_slice %arg26[%dma_wait3A_565, %dma_wait3A_566, %dma_wait3A_567, %dma_wait3A_568] : memref<3x32x8x128xf32, #tpu.memory_space<vmem>> -> memref<1x32x8x128xf32, #tpu.memory_space<vmem>>
    %dma_wait3A_570 = tpu.memref_squeeze %dma_wait3A_569 : memref<1x32x8x128xf32, #tpu.memory_space<vmem>> -> memref<32x8x128xf32, #tpu.memory_space<vmem>>
    %dma_wait3A_571 = arith.constant 0 : i32
    %dma_wait3A_572 = arith.constant 0 : i32
    %dma_wait3A_573 = tpu.memref_slice %arg6[%add3A_547, %dma_wait3A_571, %dma_wait3A_572] : memref<16384x8x128xf32, #tpu.memory_space<hbm>> -> memref<32x8x128xf32, #tpu.memory_space<hbm>>
    %dma_wait3A_574 = arith.constant 0 : i32
    %dma_wait3A_575 = arith.constant 0 : i32
    %dma_wait3A_576 = tpu.memref_slice %arg6[%add3A_547, %dma_wait3A_574, %dma_wait3A_575] : memref<16384x8x128xf32, #tpu.memory_space<hbm>> -> memref<32x8x128xf32, #tpu.memory_space<hbm>>
    %dma_wait3A_577 = arith.constant 0 : i32
    %dma_wait3A_578 = arith.constant 0 : i32
    %dma_wait3A_579 = arith.constant 0 : i32
    %dma_wait3A_580 = tpu.memref_slice %arg26[%dma_wait3A_565, %dma_wait3A_577, %dma_wait3A_578, %dma_wait3A_579] : memref<3x32x8x128xf32, #tpu.memory_space<vmem>> -> memref<1x32x8x128xf32, #tpu.memory_space<vmem>>
    %dma_wait3A_581 = tpu.memref_squeeze %dma_wait3A_580 : memref<1x32x8x128xf32, #tpu.memory_space<vmem>> -> memref<32x8x128xf32, #tpu.memory_space<vmem>>
    tpu.wait_dma2 semaphore(%arg32 : memref<!tpu.dma_semaphore, #tpu.memory_space<semaphore_mem>>) src(%dma_wait3A_581 : memref<32x8x128xf32, #tpu.memory_space<vmem>>) dst(%dma_wait3A_576 : memref<32x8x128xf32, #tpu.memory_space<hbm>>)
    %dma_start3A_582 = arith.constant 2 : i32
    %dma_start3A_583 = arith.constant 0 : i32
    %dma_start3A_584 = arith.constant 0 : i32
    %dma_start3A_585 = arith.constant 0 : i32
    %dma_start3A_586 = tpu.memref_slice %arg26[%dma_start3A_582, %dma_start3A_583, %dma_start3A_584, %dma_start3A_585] : memref<3x32x8x128xf32, #tpu.memory_space<vmem>> -> memref<1x32x8x128xf32, #tpu.memory_space<vmem>>
    %dma_start3A_587 = tpu.memref_squeeze %dma_start3A_586 : memref<1x32x8x128xf32, #tpu.memory_space<vmem>> -> memref<32x8x128xf32, #tpu.memory_space<vmem>>
    %dma_start3A_588 = arith.constant 0 : i32
    %dma_start3A_589 = arith.constant 0 : i32
    %dma_start3A_590 = arith.constant 0 : i32
    %dma_start3A_591 = tpu.memref_slice %arg2[%dma_start3A_588, %dma_start3A_589, %dma_start3A_590] : memref<100000x8x128xf32, #tpu.memory_space<hbm>> -> memref<100000x8x128xf32, #tpu.memory_space<hbm>>
    tpu.enqueue_indirect_dma source(%dma_start3A_591 : memref<100000x8x128xf32, #tpu.memory_space<hbm>>) target(%dma_start3A_587 : memref<32x8x128xf32, #tpu.memory_space<vmem>>) offsets(%arg14 : memref<32xi32, #tpu.memory_space<vmem>>) semaphore(%arg29 : memref<!tpu.dma_semaphore, #tpu.memory_space<semaphore_mem>>)
    %dma_wait3A_592 = arith.constant 0 : i32
    %dma_wait3A_593 = arith.constant 0 : i32
    %dma_wait3A_594 = arith.constant 0 : i32
    %dma_wait3A_595 = arith.constant 0 : i32
    %dma_wait3A_596 = tpu.memref_slice %arg26[%dma_wait3A_592, %dma_wait3A_593, %dma_wait3A_594, %dma_wait3A_595] : memref<3x32x8x128xf32, #tpu.memory_space<vmem>> -> memref<1x32x8x128xf32, #tpu.memory_space<vmem>>
    %dma_wait3A_597 = tpu.memref_squeeze %dma_wait3A_596 : memref<1x32x8x128xf32, #tpu.memory_space<vmem>> -> memref<32x8x128xf32, #tpu.memory_space<vmem>>
    %dma_wait3A_598 = arith.constant 0 : i32
    %dma_wait3A_599 = arith.constant 0 : i32
    %dma_wait3A_600 = arith.constant 0 : i32
    %dma_wait3A_601 = tpu.memref_slice %arg2[%dma_wait3A_598, %dma_wait3A_599, %dma_wait3A_600] : memref<100000x8x128xf32, #tpu.memory_space<hbm>> -> memref<100000x8x128xf32, #tpu.memory_space<hbm>>
    tpu.wait_indirect_dma semaphore(%arg27 : memref<!tpu.dma_semaphore, #tpu.memory_space<semaphore_mem>>) src(%dma_wait3A_601 : memref<100000x8x128xf32, #tpu.memory_space<hbm>>) dst(%dma_wait3A_597 : memref<32x8x128xf32, #tpu.memory_space<vmem>>)
    %add3A_602 = arith.constant 96 : i32
    %add3A_603 = arith.addi %mul3A_2, %add3A_602 : i32
    %dma_start3A_604 = arith.constant 0 : i32
    %dma_start3A_605 = arith.constant 0 : i32
    %dma_start3A_606 = arith.constant 0 : i32
    %dma_start3A_607 = arith.constant 0 : i32
    %dma_start3A_608 = tpu.memref_slice %arg26[%dma_start3A_604, %dma_start3A_605, %dma_start3A_606, %dma_start3A_607] : memref<3x32x8x128xf32, #tpu.memory_space<vmem>> -> memref<1x32x8x128xf32, #tpu.memory_space<vmem>>
    %dma_start3A_609 = tpu.memref_squeeze %dma_start3A_608 : memref<1x32x8x128xf32, #tpu.memory_space<vmem>> -> memref<32x8x128xf32, #tpu.memory_space<vmem>>
    %dma_start3A_610 = arith.constant 0 : i32
    %dma_start3A_611 = arith.constant 0 : i32
    %dma_start3A_612 = tpu.memref_slice %arg6[%add3A_603, %dma_start3A_610, %dma_start3A_611] : memref<16384x8x128xf32, #tpu.memory_space<hbm>> -> memref<32x8x128xf32, #tpu.memory_space<hbm>>
    %dma_start3A_613 = arith.constant 0 : i32
    %dma_start3A_614 = arith.constant 0 : i32
    %dma_start3A_615 = tpu.memref_slice %arg6[%add3A_603, %dma_start3A_613, %dma_start3A_614] : memref<16384x8x128xf32, #tpu.memory_space<hbm>> -> memref<32x8x128xf32, #tpu.memory_space<hbm>>
    %dma_start3A_616 = arith.constant 0 : i32
    %dma_start3A_617 = arith.constant 0 : i32
    %dma_start3A_618 = arith.constant 0 : i32
    %dma_start3A_619 = tpu.memref_slice %arg26[%dma_start3A_604, %dma_start3A_616, %dma_start3A_617, %dma_start3A_618] : memref<3x32x8x128xf32, #tpu.memory_space<vmem>> -> memref<1x32x8x128xf32, #tpu.memory_space<vmem>>
    %dma_start3A_620 = tpu.memref_squeeze %dma_start3A_619 : memref<1x32x8x128xf32, #tpu.memory_space<vmem>> -> memref<32x8x128xf32, #tpu.memory_space<vmem>>
    tpu.enqueue_dma source(%dma_start3A_620 : memref<32x8x128xf32, #tpu.memory_space<vmem>>) target(%dma_start3A_615 : memref<32x8x128xf32, #tpu.memory_space<hbm>>) target_semaphore(%arg30 : memref<!tpu.dma_semaphore, #tpu.memory_space<semaphore_mem>>)
    %dma_wait3A_621 = arith.constant 0 : i32
    %dma_wait3A_622 = arith.constant 0 : i32
    %dma_wait3A_623 = arith.constant 0 : i32
    %dma_wait3A_624 = arith.constant 0 : i32
    %dma_wait3A_625 = tpu.memref_slice %arg26[%dma_wait3A_621, %dma_wait3A_622, %dma_wait3A_623, %dma_wait3A_624] : memref<3x32x8x128xf32, #tpu.memory_space<vmem>> -> memref<1x32x8x128xf32, #tpu.memory_space<vmem>>
    %dma_wait3A_626 = tpu.memref_squeeze %dma_wait3A_625 : memref<1x32x8x128xf32, #tpu.memory_space<vmem>> -> memref<32x8x128xf32, #tpu.memory_space<vmem>>
    %dma_wait3A_627 = arith.constant 0 : i32
    %dma_wait3A_628 = arith.constant 0 : i32
    %dma_wait3A_629 = tpu.memref_slice %arg6[%add3A_603, %dma_wait3A_627, %dma_wait3A_628] : memref<16384x8x128xf32, #tpu.memory_space<hbm>> -> memref<32x8x128xf32, #tpu.memory_space<hbm>>
    %dma_wait3A_630 = arith.constant 0 : i32
    %dma_wait3A_631 = arith.constant 0 : i32
    %dma_wait3A_632 = tpu.memref_slice %arg6[%add3A_603, %dma_wait3A_630, %dma_wait3A_631] : memref<16384x8x128xf32, #tpu.memory_space<hbm>> -> memref<32x8x128xf32, #tpu.memory_space<hbm>>
    %dma_wait3A_633 = arith.constant 0 : i32
    %dma_wait3A_634 = arith.constant 0 : i32
    %dma_wait3A_635 = arith.constant 0 : i32
    %dma_wait3A_636 = tpu.memref_slice %arg26[%dma_wait3A_621, %dma_wait3A_633, %dma_wait3A_634, %dma_wait3A_635] : memref<3x32x8x128xf32, #tpu.memory_space<vmem>> -> memref<1x32x8x128xf32, #tpu.memory_space<vmem>>
    %dma_wait3A_637 = tpu.memref_squeeze %dma_wait3A_636 : memref<1x32x8x128xf32, #tpu.memory_space<vmem>> -> memref<32x8x128xf32, #tpu.memory_space<vmem>>
    tpu.wait_dma2 semaphore(%arg30 : memref<!tpu.dma_semaphore, #tpu.memory_space<semaphore_mem>>) src(%dma_wait3A_637 : memref<32x8x128xf32, #tpu.memory_space<vmem>>) dst(%dma_wait3A_632 : memref<32x8x128xf32, #tpu.memory_space<hbm>>)
    %dma_start3A_638 = arith.constant 0 : i32
    %dma_start3A_639 = arith.constant 0 : i32
    %dma_start3A_640 = arith.constant 0 : i32
    %dma_start3A_641 = arith.constant 0 : i32
    %dma_start3A_642 = tpu.memref_slice %arg26[%dma_start3A_638, %dma_start3A_639, %dma_start3A_640, %dma_start3A_641] : memref<3x32x8x128xf32, #tpu.memory_space<vmem>> -> memref<1x32x8x128xf32, #tpu.memory_space<vmem>>
    %dma_start3A_643 = tpu.memref_squeeze %dma_start3A_642 : memref<1x32x8x128xf32, #tpu.memory_space<vmem>> -> memref<32x8x128xf32, #tpu.memory_space<vmem>>
    %dma_start3A_644 = arith.constant 0 : i32
    %dma_start3A_645 = arith.constant 0 : i32
    %dma_start3A_646 = arith.constant 0 : i32
    %dma_start3A_647 = tpu.memref_slice %arg2[%dma_start3A_644, %dma_start3A_645, %dma_start3A_646] : memref<100000x8x128xf32, #tpu.memory_space<hbm>> -> memref<100000x8x128xf32, #tpu.memory_space<hbm>>
    tpu.enqueue_indirect_dma source(%dma_start3A_647 : memref<100000x8x128xf32, #tpu.memory_space<hbm>>) target(%dma_start3A_643 : memref<32x8x128xf32, #tpu.memory_space<vmem>>) offsets(%arg15 : memref<32xi32, #tpu.memory_space<vmem>>) semaphore(%arg27 : memref<!tpu.dma_semaphore, #tpu.memory_space<semaphore_mem>>)
    %dma_wait3A_648 = arith.constant 1 : i32
    %dma_wait3A_649 = arith.constant 0 : i32
    %dma_wait3A_650 = arith.constant 0 : i32
    %dma_wait3A_651 = arith.constant 0 : i32
    %dma_wait3A_652 = tpu.memref_slice %arg26[%dma_wait3A_648, %dma_wait3A_649, %dma_wait3A_650, %dma_wait3A_651] : memref<3x32x8x128xf32, #tpu.memory_space<vmem>> -> memref<1x32x8x128xf32, #tpu.memory_space<vmem>>
    %dma_wait3A_653 = tpu.memref_squeeze %dma_wait3A_652 : memref<1x32x8x128xf32, #tpu.memory_space<vmem>> -> memref<32x8x128xf32, #tpu.memory_space<vmem>>
    %dma_wait3A_654 = arith.constant 0 : i32
    %dma_wait3A_655 = arith.constant 0 : i32
    %dma_wait3A_656 = arith.constant 0 : i32
    %dma_wait3A_657 = tpu.memref_slice %arg2[%dma_wait3A_654, %dma_wait3A_655, %dma_wait3A_656] : memref<100000x8x128xf32, #tpu.memory_space<hbm>> -> memref<100000x8x128xf32, #tpu.memory_space<hbm>>
    tpu.wait_indirect_dma semaphore(%arg28 : memref<!tpu.dma_semaphore, #tpu.memory_space<semaphore_mem>>) src(%dma_wait3A_657 : memref<100000x8x128xf32, #tpu.memory_space<hbm>>) dst(%dma_wait3A_653 : memref<32x8x128xf32, #tpu.memory_space<vmem>>)
    %add3A_658 = arith.constant 128 : i32
    %add3A_659 = arith.addi %mul3A_2, %add3A_658 : i32
    %dma_start3A_660 = arith.constant 1 : i32
    %dma_start3A_661 = arith.constant 0 : i32
    %dma_start3A_662 = arith.constant 0 : i32
    %dma_start3A_663 = arith.constant 0 : i32
    %dma_start3A_664 = tpu.memref_slice %arg26[%dma_start3A_660, %dma_start3A_661, %dma_start3A_662, %dma_start3A_663] : memref<3x32x8x128xf32, #tpu.memory_space<vmem>> -> memref<1x32x8x128xf32, #tpu.memory_space<vmem>>
    %dma_start3A_665 = tpu.memref_squeeze %dma_start3A_664 : memref<1x32x8x128xf32, #tpu.memory_space<vmem>> -> memref<32x8x128xf32, #tpu.memory_space<vmem>>
    %dma_start3A_666 = arith.constant 0 : i32
    %dma_start3A_667 = arith.constant 0 : i32
    %dma_start3A_668 = tpu.memref_slice %arg6[%add3A_659, %dma_start3A_666, %dma_start3A_667] : memref<16384x8x128xf32, #tpu.memory_space<hbm>> -> memref<32x8x128xf32, #tpu.memory_space<hbm>>
    %dma_start3A_669 = arith.constant 0 : i32
    %dma_start3A_670 = arith.constant 0 : i32
    %dma_start3A_671 = tpu.memref_slice %arg6[%add3A_659, %dma_start3A_669, %dma_start3A_670] : memref<16384x8x128xf32, #tpu.memory_space<hbm>> -> memref<32x8x128xf32, #tpu.memory_space<hbm>>
    %dma_start3A_672 = arith.constant 0 : i32
    %dma_start3A_673 = arith.constant 0 : i32
    %dma_start3A_674 = arith.constant 0 : i32
    %dma_start3A_675 = tpu.memref_slice %arg26[%dma_start3A_660, %dma_start3A_672, %dma_start3A_673, %dma_start3A_674] : memref<3x32x8x128xf32, #tpu.memory_space<vmem>> -> memref<1x32x8x128xf32, #tpu.memory_space<vmem>>
    %dma_start3A_676 = tpu.memref_squeeze %dma_start3A_675 : memref<1x32x8x128xf32, #tpu.memory_space<vmem>> -> memref<32x8x128xf32, #tpu.memory_space<vmem>>
    tpu.enqueue_dma source(%dma_start3A_676 : memref<32x8x128xf32, #tpu.memory_space<vmem>>) target(%dma_start3A_671 : memref<32x8x128xf32, #tpu.memory_space<hbm>>) target_semaphore(%arg31 : memref<!tpu.dma_semaphore, #tpu.memory_space<semaphore_mem>>)
    %dma_wait3A_677 = arith.constant 1 : i32
    %dma_wait3A_678 = arith.constant 0 : i32
    %dma_wait3A_679 = arith.constant 0 : i32
    %dma_wait3A_680 = arith.constant 0 : i32
    %dma_wait3A_681 = tpu.memref_slice %arg26[%dma_wait3A_677, %dma_wait3A_678, %dma_wait3A_679, %dma_wait3A_680] : memref<3x32x8x128xf32, #tpu.memory_space<vmem>> -> memref<1x32x8x128xf32, #tpu.memory_space<vmem>>
    %dma_wait3A_682 = tpu.memref_squeeze %dma_wait3A_681 : memref<1x32x8x128xf32, #tpu.memory_space<vmem>> -> memref<32x8x128xf32, #tpu.memory_space<vmem>>
    %dma_wait3A_683 = arith.constant 0 : i32
    %dma_wait3A_684 = arith.constant 0 : i32
    %dma_wait3A_685 = tpu.memref_slice %arg6[%add3A_659, %dma_wait3A_683, %dma_wait3A_684] : memref<16384x8x128xf32, #tpu.memory_space<hbm>> -> memref<32x8x128xf32, #tpu.memory_space<hbm>>
    %dma_wait3A_686 = arith.constant 0 : i32
    %dma_wait3A_687 = arith.constant 0 : i32
    %dma_wait3A_688 = tpu.memref_slice %arg6[%add3A_659, %dma_wait3A_686, %dma_wait3A_687] : memref<16384x8x128xf32, #tpu.memory_space<hbm>> -> memref<32x8x128xf32, #tpu.memory_space<hbm>>
    %dma_wait3A_689 = arith.constant 0 : i32
    %dma_wait3A_690 = arith.constant 0 : i32
    %dma_wait3A_691 = arith.constant 0 : i32
    %dma_wait3A_692 = tpu.memref_slice %arg26[%dma_wait3A_677, %dma_wait3A_689, %dma_wait3A_690, %dma_wait3A_691] : memref<3x32x8x128xf32, #tpu.memory_space<vmem>> -> memref<1x32x8x128xf32, #tpu.memory_space<vmem>>
    %dma_wait3A_693 = tpu.memref_squeeze %dma_wait3A_692 : memref<1x32x8x128xf32, #tpu.memory_space<vmem>> -> memref<32x8x128xf32, #tpu.memory_space<vmem>>
    tpu.wait_dma2 semaphore(%arg31 : memref<!tpu.dma_semaphore, #tpu.memory_space<semaphore_mem>>) src(%dma_wait3A_693 : memref<32x8x128xf32, #tpu.memory_space<vmem>>) dst(%dma_wait3A_688 : memref<32x8x128xf32, #tpu.memory_space<hbm>>)
    %dma_start3A_694 = arith.constant 1 : i32
    %dma_start3A_695 = arith.constant 0 : i32
    %dma_start3A_696 = arith.constant 0 : i32
    %dma_start3A_697 = arith.constant 0 : i32
    %dma_start3A_698 = tpu.memref_slice %arg26[%dma_start3A_694, %dma_start3A_695, %dma_start3A_696, %dma_start3A_697] : memref<3x32x8x128xf32, #tpu.memory_space<vmem>> -> memref<1x32x8x128xf32, #tpu.memory_space<vmem>>
    %dma_start3A_699 = tpu.memref_squeeze %dma_start3A_698 : memref<1x32x8x128xf32, #tpu.memory_space<vmem>> -> memref<32x8x128xf32, #tpu.memory_space<vmem>>
    %dma_start3A_700 = arith.constant 0 : i32
    %dma_start3A_701 = arith.constant 0 : i32
    %dma_start3A_702 = arith.constant 0 : i32
    %dma_start3A_703 = tpu.memref_slice %arg2[%dma_start3A_700, %dma_start3A_701, %dma_start3A_702] : memref<100000x8x128xf32, #tpu.memory_space<hbm>> -> memref<100000x8x128xf32, #tpu.memory_space<hbm>>
    tpu.enqueue_indirect_dma source(%dma_start3A_703 : memref<100000x8x128xf32, #tpu.memory_space<hbm>>) target(%dma_start3A_699 : memref<32x8x128xf32, #tpu.memory_space<vmem>>) offsets(%arg16 : memref<32xi32, #tpu.memory_space<vmem>>) semaphore(%arg28 : memref<!tpu.dma_semaphore, #tpu.memory_space<semaphore_mem>>)
    %dma_wait3A_704 = arith.constant 2 : i32
    %dma_wait3A_705 = arith.constant 0 : i32
    %dma_wait3A_706 = arith.constant 0 : i32
    %dma_wait3A_707 = arith.constant 0 : i32
    %dma_wait3A_708 = tpu.memref_slice %arg26[%dma_wait3A_704, %dma_wait3A_705, %dma_wait3A_706, %dma_wait3A_707] : memref<3x32x8x128xf32, #tpu.memory_space<vmem>> -> memref<1x32x8x128xf32, #tpu.memory_space<vmem>>
    %dma_wait3A_709 = tpu.memref_squeeze %dma_wait3A_708 : memref<1x32x8x128xf32, #tpu.memory_space<vmem>> -> memref<32x8x128xf32, #tpu.memory_space<vmem>>
    %dma_wait3A_710 = arith.constant 0 : i32
    %dma_wait3A_711 = arith.constant 0 : i32
    %dma_wait3A_712 = arith.constant 0 : i32
    %dma_wait3A_713 = tpu.memref_slice %arg2[%dma_wait3A_710, %dma_wait3A_711, %dma_wait3A_712] : memref<100000x8x128xf32, #tpu.memory_space<hbm>> -> memref<100000x8x128xf32, #tpu.memory_space<hbm>>
    tpu.wait_indirect_dma semaphore(%arg29 : memref<!tpu.dma_semaphore, #tpu.memory_space<semaphore_mem>>) src(%dma_wait3A_713 : memref<100000x8x128xf32, #tpu.memory_space<hbm>>) dst(%dma_wait3A_709 : memref<32x8x128xf32, #tpu.memory_space<vmem>>)
    %add3A_714 = arith.constant 160 : i32
    %add3A_715 = arith.addi %mul3A_2, %add3A_714 : i32
    %dma_start3A_716 = arith.constant 2 : i32
    %dma_start3A_717 = arith.constant 0 : i32
    %dma_start3A_718 = arith.constant 0 : i32
    %dma_start3A_719 = arith.constant 0 : i32
    %dma_start3A_720 = tpu.memref_slice %arg26[%dma_start3A_716, %dma_start3A_717, %dma_start3A_718, %dma_start3A_719] : memref<3x32x8x128xf32, #tpu.memory_space<vmem>> -> memref<1x32x8x128xf32, #tpu.memory_space<vmem>>
    %dma_start3A_721 = tpu.memref_squeeze %dma_start3A_720 : memref<1x32x8x128xf32, #tpu.memory_space<vmem>> -> memref<32x8x128xf32, #tpu.memory_space<vmem>>
    %dma_start3A_722 = arith.constant 0 : i32
    %dma_start3A_723 = arith.constant 0 : i32
    %dma_start3A_724 = tpu.memref_slice %arg6[%add3A_715, %dma_start3A_722, %dma_start3A_723] : memref<16384x8x128xf32, #tpu.memory_space<hbm>> -> memref<32x8x128xf32, #tpu.memory_space<hbm>>
    %dma_start3A_725 = arith.constant 0 : i32
    %dma_start3A_726 = arith.constant 0 : i32
    %dma_start3A_727 = tpu.memref_slice %arg6[%add3A_715, %dma_start3A_725, %dma_start3A_726] : memref<16384x8x128xf32, #tpu.memory_space<hbm>> -> memref<32x8x128xf32, #tpu.memory_space<hbm>>
    %dma_start3A_728 = arith.constant 0 : i32
    %dma_start3A_729 = arith.constant 0 : i32
    %dma_start3A_730 = arith.constant 0 : i32
    %dma_start3A_731 = tpu.memref_slice %arg26[%dma_start3A_716, %dma_start3A_728, %dma_start3A_729, %dma_start3A_730] : memref<3x32x8x128xf32, #tpu.memory_space<vmem>> -> memref<1x32x8x128xf32, #tpu.memory_space<vmem>>
    %dma_start3A_732 = tpu.memref_squeeze %dma_start3A_731 : memref<1x32x8x128xf32, #tpu.memory_space<vmem>> -> memref<32x8x128xf32, #tpu.memory_space<vmem>>
    tpu.enqueue_dma source(%dma_start3A_732 : memref<32x8x128xf32, #tpu.memory_space<vmem>>) target(%dma_start3A_727 : memref<32x8x128xf32, #tpu.memory_space<hbm>>) target_semaphore(%arg32 : memref<!tpu.dma_semaphore, #tpu.memory_space<semaphore_mem>>)
    %dma_wait3A_733 = arith.constant 2 : i32
    %dma_wait3A_734 = arith.constant 0 : i32
    %dma_wait3A_735 = arith.constant 0 : i32
    %dma_wait3A_736 = arith.constant 0 : i32
    %dma_wait3A_737 = tpu.memref_slice %arg26[%dma_wait3A_733, %dma_wait3A_734, %dma_wait3A_735, %dma_wait3A_736] : memref<3x32x8x128xf32, #tpu.memory_space<vmem>> -> memref<1x32x8x128xf32, #tpu.memory_space<vmem>>
    %dma_wait3A_738 = tpu.memref_squeeze %dma_wait3A_737 : memref<1x32x8x128xf32, #tpu.memory_space<vmem>> -> memref<32x8x128xf32, #tpu.memory_space<vmem>>
    %dma_wait3A_739 = arith.constant 0 : i32
    %dma_wait3A_740 = arith.constant 0 : i32
    %dma_wait3A_741 = tpu.memref_slice %arg6[%add3A_715, %dma_wait3A_739, %dma_wait3A_740] : memref<16384x8x128xf32, #tpu.memory_space<hbm>> -> memref<32x8x128xf32, #tpu.memory_space<hbm>>
    %dma_wait3A_742 = arith.constant 0 : i32
    %dma_wait3A_743 = arith.constant 0 : i32
    %dma_wait3A_744 = tpu.memref_slice %arg6[%add3A_715, %dma_wait3A_742, %dma_wait3A_743] : memref<16384x8x128xf32, #tpu.memory_space<hbm>> -> memref<32x8x128xf32, #tpu.memory_space<hbm>>
    %dma_wait3A_745 = arith.constant 0 : i32
    %dma_wait3A_746 = arith.constant 0 : i32
    %dma_wait3A_747 = arith.constant 0 : i32
    %dma_wait3A_748 = tpu.memref_slice %arg26[%dma_wait3A_733, %dma_wait3A_745, %dma_wait3A_746, %dma_wait3A_747] : memref<3x32x8x128xf32, #tpu.memory_space<vmem>> -> memref<1x32x8x128xf32, #tpu.memory_space<vmem>>
    %dma_wait3A_749 = tpu.memref_squeeze %dma_wait3A_748 : memref<1x32x8x128xf32, #tpu.memory_space<vmem>> -> memref<32x8x128xf32, #tpu.memory_space<vmem>>
    tpu.wait_dma2 semaphore(%arg32 : memref<!tpu.dma_semaphore, #tpu.memory_space<semaphore_mem>>) src(%dma_wait3A_749 : memref<32x8x128xf32, #tpu.memory_space<vmem>>) dst(%dma_wait3A_744 : memref<32x8x128xf32, #tpu.memory_space<hbm>>)
    %dma_start3A_750 = arith.constant 2 : i32
    %dma_start3A_751 = arith.constant 0 : i32
    %dma_start3A_752 = arith.constant 0 : i32
    %dma_start3A_753 = arith.constant 0 : i32
    %dma_start3A_754 = tpu.memref_slice %arg26[%dma_start3A_750, %dma_start3A_751, %dma_start3A_752, %dma_start3A_753] : memref<3x32x8x128xf32, #tpu.memory_space<vmem>> -> memref<1x32x8x128xf32, #tpu.memory_space<vmem>>
    %dma_start3A_755 = tpu.memref_squeeze %dma_start3A_754 : memref<1x32x8x128xf32, #tpu.memory_space<vmem>> -> memref<32x8x128xf32, #tpu.memory_space<vmem>>
    %dma_start3A_756 = arith.constant 0 : i32
    %dma_start3A_757 = arith.constant 0 : i32
    %dma_start3A_758 = arith.constant 0 : i32
    %dma_start3A_759 = tpu.memref_slice %arg2[%dma_start3A_756, %dma_start3A_757, %dma_start3A_758] : memref<100000x8x128xf32, #tpu.memory_space<hbm>> -> memref<100000x8x128xf32, #tpu.memory_space<hbm>>
    tpu.enqueue_indirect_dma source(%dma_start3A_759 : memref<100000x8x128xf32, #tpu.memory_space<hbm>>) target(%dma_start3A_755 : memref<32x8x128xf32, #tpu.memory_space<vmem>>) offsets(%arg17 : memref<32xi32, #tpu.memory_space<vmem>>) semaphore(%arg29 : memref<!tpu.dma_semaphore, #tpu.memory_space<semaphore_mem>>)
    %dma_wait3A_760 = arith.constant 0 : i32
    %dma_wait3A_761 = arith.constant 0 : i32
    %dma_wait3A_762 = arith.constant 0 : i32
    %dma_wait3A_763 = arith.constant 0 : i32
    %dma_wait3A_764 = tpu.memref_slice %arg26[%dma_wait3A_760, %dma_wait3A_761, %dma_wait3A_762, %dma_wait3A_763] : memref<3x32x8x128xf32, #tpu.memory_space<vmem>> -> memref<1x32x8x128xf32, #tpu.memory_space<vmem>>
    %dma_wait3A_765 = tpu.memref_squeeze %dma_wait3A_764 : memref<1x32x8x128xf32, #tpu.memory_space<vmem>> -> memref<32x8x128xf32, #tpu.memory_space<vmem>>
    %dma_wait3A_766 = arith.constant 0 : i32
    %dma_wait3A_767 = arith.constant 0 : i32
    %dma_wait3A_768 = arith.constant 0 : i32
    %dma_wait3A_769 = tpu.memref_slice %arg2[%dma_wait3A_766, %dma_wait3A_767, %dma_wait3A_768] : memref<100000x8x128xf32, #tpu.memory_space<hbm>> -> memref<100000x8x128xf32, #tpu.memory_space<hbm>>
    tpu.wait_indirect_dma semaphore(%arg27 : memref<!tpu.dma_semaphore, #tpu.memory_space<semaphore_mem>>) src(%dma_wait3A_769 : memref<100000x8x128xf32, #tpu.memory_space<hbm>>) dst(%dma_wait3A_765 : memref<32x8x128xf32, #tpu.memory_space<vmem>>)
    %add3A_770 = arith.constant 192 : i32
    %add3A_771 = arith.addi %mul3A_2, %add3A_770 : i32
    %dma_start3A_772 = arith.constant 0 : i32
    %dma_start3A_773 = arith.constant 0 : i32
    %dma_start3A_774 = arith.constant 0 : i32
    %dma_start3A_775 = arith.constant 0 : i32
    %dma_start3A_776 = tpu.memref_slice %arg26[%dma_start3A_772, %dma_start3A_773, %dma_start3A_774, %dma_start3A_775] : memref<3x32x8x128xf32, #tpu.memory_space<vmem>> -> memref<1x32x8x128xf32, #tpu.memory_space<vmem>>
    %dma_start3A_777 = tpu.memref_squeeze %dma_start3A_776 : memref<1x32x8x128xf32, #tpu.memory_space<vmem>> -> memref<32x8x128xf32, #tpu.memory_space<vmem>>
    %dma_start3A_778 = arith.constant 0 : i32
    %dma_start3A_779 = arith.constant 0 : i32
    %dma_start3A_780 = tpu.memref_slice %arg6[%add3A_771, %dma_start3A_778, %dma_start3A_779] : memref<16384x8x128xf32, #tpu.memory_space<hbm>> -> memref<32x8x128xf32, #tpu.memory_space<hbm>>
    %dma_start3A_781 = arith.constant 0 : i32
    %dma_start3A_782 = arith.constant 0 : i32
    %dma_start3A_783 = tpu.memref_slice %arg6[%add3A_771, %dma_start3A_781, %dma_start3A_782] : memref<16384x8x128xf32, #tpu.memory_space<hbm>> -> memref<32x8x128xf32, #tpu.memory_space<hbm>>
    %dma_start3A_784 = arith.constant 0 : i32
    %dma_start3A_785 = arith.constant 0 : i32
    %dma_start3A_786 = arith.constant 0 : i32
    %dma_start3A_787 = tpu.memref_slice %arg26[%dma_start3A_772, %dma_start3A_784, %dma_start3A_785, %dma_start3A_786] : memref<3x32x8x128xf32, #tpu.memory_space<vmem>> -> memref<1x32x8x128xf32, #tpu.memory_space<vmem>>
    %dma_start3A_788 = tpu.memref_squeeze %dma_start3A_787 : memref<1x32x8x128xf32, #tpu.memory_space<vmem>> -> memref<32x8x128xf32, #tpu.memory_space<vmem>>
    tpu.enqueue_dma source(%dma_start3A_788 : memref<32x8x128xf32, #tpu.memory_space<vmem>>) target(%dma_start3A_783 : memref<32x8x128xf32, #tpu.memory_space<hbm>>) target_semaphore(%arg30 : memref<!tpu.dma_semaphore, #tpu.memory_space<semaphore_mem>>)
    %dma_wait3A_789 = arith.constant 0 : i32
    %dma_wait3A_790 = arith.constant 0 : i32
    %dma_wait3A_791 = arith.constant 0 : i32
    %dma_wait3A_792 = arith.constant 0 : i32
    %dma_wait3A_793 = tpu.memref_slice %arg26[%dma_wait3A_789, %dma_wait3A_790, %dma_wait3A_791, %dma_wait3A_792] : memref<3x32x8x128xf32, #tpu.memory_space<vmem>> -> memref<1x32x8x128xf32, #tpu.memory_space<vmem>>
    %dma_wait3A_794 = tpu.memref_squeeze %dma_wait3A_793 : memref<1x32x8x128xf32, #tpu.memory_space<vmem>> -> memref<32x8x128xf32, #tpu.memory_space<vmem>>
    %dma_wait3A_795 = arith.constant 0 : i32
    %dma_wait3A_796 = arith.constant 0 : i32
    %dma_wait3A_797 = tpu.memref_slice %arg6[%add3A_771, %dma_wait3A_795, %dma_wait3A_796] : memref<16384x8x128xf32, #tpu.memory_space<hbm>> -> memref<32x8x128xf32, #tpu.memory_space<hbm>>
    %dma_wait3A_798 = arith.constant 0 : i32
    %dma_wait3A_799 = arith.constant 0 : i32
    %dma_wait3A_800 = tpu.memref_slice %arg6[%add3A_771, %dma_wait3A_798, %dma_wait3A_799] : memref<16384x8x128xf32, #tpu.memory_space<hbm>> -> memref<32x8x128xf32, #tpu.memory_space<hbm>>
    %dma_wait3A_801 = arith.constant 0 : i32
    %dma_wait3A_802 = arith.constant 0 : i32
    %dma_wait3A_803 = arith.constant 0 : i32
    %dma_wait3A_804 = tpu.memref_slice %arg26[%dma_wait3A_789, %dma_wait3A_801, %dma_wait3A_802, %dma_wait3A_803] : memref<3x32x8x128xf32, #tpu.memory_space<vmem>> -> memref<1x32x8x128xf32, #tpu.memory_space<vmem>>
    %dma_wait3A_805 = tpu.memref_squeeze %dma_wait3A_804 : memref<1x32x8x128xf32, #tpu.memory_space<vmem>> -> memref<32x8x128xf32, #tpu.memory_space<vmem>>
    tpu.wait_dma2 semaphore(%arg30 : memref<!tpu.dma_semaphore, #tpu.memory_space<semaphore_mem>>) src(%dma_wait3A_805 : memref<32x8x128xf32, #tpu.memory_space<vmem>>) dst(%dma_wait3A_800 : memref<32x8x128xf32, #tpu.memory_space<hbm>>)
    %dma_start3A_806 = arith.constant 0 : i32
    %dma_start3A_807 = arith.constant 0 : i32
    %dma_start3A_808 = arith.constant 0 : i32
    %dma_start3A_809 = arith.constant 0 : i32
    %dma_start3A_810 = tpu.memref_slice %arg26[%dma_start3A_806, %dma_start3A_807, %dma_start3A_808, %dma_start3A_809] : memref<3x32x8x128xf32, #tpu.memory_space<vmem>> -> memref<1x32x8x128xf32, #tpu.memory_space<vmem>>
    %dma_start3A_811 = tpu.memref_squeeze %dma_start3A_810 : memref<1x32x8x128xf32, #tpu.memory_space<vmem>> -> memref<32x8x128xf32, #tpu.memory_space<vmem>>
    %dma_start3A_812 = arith.constant 0 : i32
    %dma_start3A_813 = arith.constant 0 : i32
    %dma_start3A_814 = arith.constant 0 : i32
    %dma_start3A_815 = tpu.memref_slice %arg2[%dma_start3A_812, %dma_start3A_813, %dma_start3A_814] : memref<100000x8x128xf32, #tpu.memory_space<hbm>> -> memref<100000x8x128xf32, #tpu.memory_space<hbm>>
    tpu.enqueue_indirect_dma source(%dma_start3A_815 : memref<100000x8x128xf32, #tpu.memory_space<hbm>>) target(%dma_start3A_811 : memref<32x8x128xf32, #tpu.memory_space<vmem>>) offsets(%arg18 : memref<32xi32, #tpu.memory_space<vmem>>) semaphore(%arg27 : memref<!tpu.dma_semaphore, #tpu.memory_space<semaphore_mem>>)
    %dma_wait3A_816 = arith.constant 1 : i32
    %dma_wait3A_817 = arith.constant 0 : i32
    %dma_wait3A_818 = arith.constant 0 : i32
    %dma_wait3A_819 = arith.constant 0 : i32
    %dma_wait3A_820 = tpu.memref_slice %arg26[%dma_wait3A_816, %dma_wait3A_817, %dma_wait3A_818, %dma_wait3A_819] : memref<3x32x8x128xf32, #tpu.memory_space<vmem>> -> memref<1x32x8x128xf32, #tpu.memory_space<vmem>>
    %dma_wait3A_821 = tpu.memref_squeeze %dma_wait3A_820 : memref<1x32x8x128xf32, #tpu.memory_space<vmem>> -> memref<32x8x128xf32, #tpu.memory_space<vmem>>
    %dma_wait3A_822 = arith.constant 0 : i32
    %dma_wait3A_823 = arith.constant 0 : i32
    %dma_wait3A_824 = arith.constant 0 : i32
    %dma_wait3A_825 = tpu.memref_slice %arg2[%dma_wait3A_822, %dma_wait3A_823, %dma_wait3A_824] : memref<100000x8x128xf32, #tpu.memory_space<hbm>> -> memref<100000x8x128xf32, #tpu.memory_space<hbm>>
    tpu.wait_indirect_dma semaphore(%arg28 : memref<!tpu.dma_semaphore, #tpu.memory_space<semaphore_mem>>) src(%dma_wait3A_825 : memref<100000x8x128xf32, #tpu.memory_space<hbm>>) dst(%dma_wait3A_821 : memref<32x8x128xf32, #tpu.memory_space<vmem>>)
    %add3A_826 = arith.constant 224 : i32
    %add3A_827 = arith.addi %mul3A_2, %add3A_826 : i32
    %dma_start3A_828 = arith.constant 1 : i32
    %dma_start3A_829 = arith.constant 0 : i32
    %dma_start3A_830 = arith.constant 0 : i32
    %dma_start3A_831 = arith.constant 0 : i32
    %dma_start3A_832 = tpu.memref_slice %arg26[%dma_start3A_828, %dma_start3A_829, %dma_start3A_830, %dma_start3A_831] : memref<3x32x8x128xf32, #tpu.memory_space<vmem>> -> memref<1x32x8x128xf32, #tpu.memory_space<vmem>>
    %dma_start3A_833 = tpu.memref_squeeze %dma_start3A_832 : memref<1x32x8x128xf32, #tpu.memory_space<vmem>> -> memref<32x8x128xf32, #tpu.memory_space<vmem>>
    %dma_start3A_834 = arith.constant 0 : i32
    %dma_start3A_835 = arith.constant 0 : i32
    %dma_start3A_836 = tpu.memref_slice %arg6[%add3A_827, %dma_start3A_834, %dma_start3A_835] : memref<16384x8x128xf32, #tpu.memory_space<hbm>> -> memref<32x8x128xf32, #tpu.memory_space<hbm>>
    %dma_start3A_837 = arith.constant 0 : i32
    %dma_start3A_838 = arith.constant 0 : i32
    %dma_start3A_839 = tpu.memref_slice %arg6[%add3A_827, %dma_start3A_837, %dma_start3A_838] : memref<16384x8x128xf32, #tpu.memory_space<hbm>> -> memref<32x8x128xf32, #tpu.memory_space<hbm>>
    %dma_start3A_840 = arith.constant 0 : i32
    %dma_start3A_841 = arith.constant 0 : i32
    %dma_start3A_842 = arith.constant 0 : i32
    %dma_start3A_843 = tpu.memref_slice %arg26[%dma_start3A_828, %dma_start3A_840, %dma_start3A_841, %dma_start3A_842] : memref<3x32x8x128xf32, #tpu.memory_space<vmem>> -> memref<1x32x8x128xf32, #tpu.memory_space<vmem>>
    %dma_start3A_844 = tpu.memref_squeeze %dma_start3A_843 : memref<1x32x8x128xf32, #tpu.memory_space<vmem>> -> memref<32x8x128xf32, #tpu.memory_space<vmem>>
    tpu.enqueue_dma source(%dma_start3A_844 : memref<32x8x128xf32, #tpu.memory_space<vmem>>) target(%dma_start3A_839 : memref<32x8x128xf32, #tpu.memory_space<hbm>>) target_semaphore(%arg31 : memref<!tpu.dma_semaphore, #tpu.memory_space<semaphore_mem>>)
    %dma_wait3A_845 = arith.constant 1 : i32
    %dma_wait3A_846 = arith.constant 0 : i32
    %dma_wait3A_847 = arith.constant 0 : i32
    %dma_wait3A_848 = arith.constant 0 : i32
    %dma_wait3A_849 = tpu.memref_slice %arg26[%dma_wait3A_845, %dma_wait3A_846, %dma_wait3A_847, %dma_wait3A_848] : memref<3x32x8x128xf32, #tpu.memory_space<vmem>> -> memref<1x32x8x128xf32, #tpu.memory_space<vmem>>
    %dma_wait3A_850 = tpu.memref_squeeze %dma_wait3A_849 : memref<1x32x8x128xf32, #tpu.memory_space<vmem>> -> memref<32x8x128xf32, #tpu.memory_space<vmem>>
    %dma_wait3A_851 = arith.constant 0 : i32
    %dma_wait3A_852 = arith.constant 0 : i32
    %dma_wait3A_853 = tpu.memref_slice %arg6[%add3A_827, %dma_wait3A_851, %dma_wait3A_852] : memref<16384x8x128xf32, #tpu.memory_space<hbm>> -> memref<32x8x128xf32, #tpu.memory_space<hbm>>
    %dma_wait3A_854 = arith.constant 0 : i32
    %dma_wait3A_855 = arith.constant 0 : i32
    %dma_wait3A_856 = tpu.memref_slice %arg6[%add3A_827, %dma_wait3A_854, %dma_wait3A_855] : memref<16384x8x128xf32, #tpu.memory_space<hbm>> -> memref<32x8x128xf32, #tpu.memory_space<hbm>>
    %dma_wait3A_857 = arith.constant 0 : i32
    %dma_wait3A_858 = arith.constant 0 : i32
    %dma_wait3A_859 = arith.constant 0 : i32
    %dma_wait3A_860 = tpu.memref_slice %arg26[%dma_wait3A_845, %dma_wait3A_857, %dma_wait3A_858, %dma_wait3A_859] : memref<3x32x8x128xf32, #tpu.memory_space<vmem>> -> memref<1x32x8x128xf32, #tpu.memory_space<vmem>>
    %dma_wait3A_861 = tpu.memref_squeeze %dma_wait3A_860 : memref<1x32x8x128xf32, #tpu.memory_space<vmem>> -> memref<32x8x128xf32, #tpu.memory_space<vmem>>
    tpu.wait_dma2 semaphore(%arg31 : memref<!tpu.dma_semaphore, #tpu.memory_space<semaphore_mem>>) src(%dma_wait3A_861 : memref<32x8x128xf32, #tpu.memory_space<vmem>>) dst(%dma_wait3A_856 : memref<32x8x128xf32, #tpu.memory_space<hbm>>)
    %dma_start3A_862 = arith.constant 1 : i32
    %dma_start3A_863 = arith.constant 0 : i32
    %dma_start3A_864 = arith.constant 0 : i32
    %dma_start3A_865 = arith.constant 0 : i32
    %dma_start3A_866 = tpu.memref_slice %arg26[%dma_start3A_862, %dma_start3A_863, %dma_start3A_864, %dma_start3A_865] : memref<3x32x8x128xf32, #tpu.memory_space<vmem>> -> memref<1x32x8x128xf32, #tpu.memory_space<vmem>>
    %dma_start3A_867 = tpu.memref_squeeze %dma_start3A_866 : memref<1x32x8x128xf32, #tpu.memory_space<vmem>> -> memref<32x8x128xf32, #tpu.memory_space<vmem>>
    %dma_start3A_868 = arith.constant 0 : i32
    %dma_start3A_869 = arith.constant 0 : i32
    %dma_start3A_870 = arith.constant 0 : i32
    %dma_start3A_871 = tpu.memref_slice %arg2[%dma_start3A_868, %dma_start3A_869, %dma_start3A_870] : memref<100000x8x128xf32, #tpu.memory_space<hbm>> -> memref<100000x8x128xf32, #tpu.memory_space<hbm>>
    tpu.enqueue_indirect_dma source(%dma_start3A_871 : memref<100000x8x128xf32, #tpu.memory_space<hbm>>) target(%dma_start3A_867 : memref<32x8x128xf32, #tpu.memory_space<vmem>>) offsets(%arg19 : memref<32xi32, #tpu.memory_space<vmem>>) semaphore(%arg28 : memref<!tpu.dma_semaphore, #tpu.memory_space<semaphore_mem>>)
    %dma_wait3A_872 = arith.constant 2 : i32
    %dma_wait3A_873 = arith.constant 0 : i32
    %dma_wait3A_874 = arith.constant 0 : i32
    %dma_wait3A_875 = arith.constant 0 : i32
    %dma_wait3A_876 = tpu.memref_slice %arg26[%dma_wait3A_872, %dma_wait3A_873, %dma_wait3A_874, %dma_wait3A_875] : memref<3x32x8x128xf32, #tpu.memory_space<vmem>> -> memref<1x32x8x128xf32, #tpu.memory_space<vmem>>
    %dma_wait3A_877 = tpu.memref_squeeze %dma_wait3A_876 : memref<1x32x8x128xf32, #tpu.memory_space<vmem>> -> memref<32x8x128xf32, #tpu.memory_space<vmem>>
    %dma_wait3A_878 = arith.constant 0 : i32
    %dma_wait3A_879 = arith.constant 0 : i32
    %dma_wait3A_880 = arith.constant 0 : i32
    %dma_wait3A_881 = tpu.memref_slice %arg2[%dma_wait3A_878, %dma_wait3A_879, %dma_wait3A_880] : memref<100000x8x128xf32, #tpu.memory_space<hbm>> -> memref<100000x8x128xf32, #tpu.memory_space<hbm>>
    tpu.wait_indirect_dma semaphore(%arg29 : memref<!tpu.dma_semaphore, #tpu.memory_space<semaphore_mem>>) src(%dma_wait3A_881 : memref<100000x8x128xf32, #tpu.memory_space<hbm>>) dst(%dma_wait3A_877 : memref<32x8x128xf32, #tpu.memory_space<vmem>>)
    %add3A_882 = arith.constant 256 : i32
    %add3A_883 = arith.addi %mul3A_2, %add3A_882 : i32
    %dma_start3A_884 = arith.constant 2 : i32
    %dma_start3A_885 = arith.constant 0 : i32
    %dma_start3A_886 = arith.constant 0 : i32
    %dma_start3A_887 = arith.constant 0 : i32
    %dma_start3A_888 = tpu.memref_slice %arg26[%dma_start3A_884, %dma_start3A_885, %dma_start3A_886, %dma_start3A_887] : memref<3x32x8x128xf32, #tpu.memory_space<vmem>> -> memref<1x32x8x128xf32, #tpu.memory_space<vmem>>
    %dma_start3A_889 = tpu.memref_squeeze %dma_start3A_888 : memref<1x32x8x128xf32, #tpu.memory_space<vmem>> -> memref<32x8x128xf32, #tpu.memory_space<vmem>>
    %dma_start3A_890 = arith.constant 0 : i32
    %dma_start3A_891 = arith.constant 0 : i32
    %dma_start3A_892 = tpu.memref_slice %arg6[%add3A_883, %dma_start3A_890, %dma_start3A_891] : memref<16384x8x128xf32, #tpu.memory_space<hbm>> -> memref<32x8x128xf32, #tpu.memory_space<hbm>>
    %dma_start3A_893 = arith.constant 0 : i32
    %dma_start3A_894 = arith.constant 0 : i32
    %dma_start3A_895 = tpu.memref_slice %arg6[%add3A_883, %dma_start3A_893, %dma_start3A_894] : memref<16384x8x128xf32, #tpu.memory_space<hbm>> -> memref<32x8x128xf32, #tpu.memory_space<hbm>>
    %dma_start3A_896 = arith.constant 0 : i32
    %dma_start3A_897 = arith.constant 0 : i32
    %dma_start3A_898 = arith.constant 0 : i32
    %dma_start3A_899 = tpu.memref_slice %arg26[%dma_start3A_884, %dma_start3A_896, %dma_start3A_897, %dma_start3A_898] : memref<3x32x8x128xf32, #tpu.memory_space<vmem>> -> memref<1x32x8x128xf32, #tpu.memory_space<vmem>>
    %dma_start3A_900 = tpu.memref_squeeze %dma_start3A_899 : memref<1x32x8x128xf32, #tpu.memory_space<vmem>> -> memref<32x8x128xf32, #tpu.memory_space<vmem>>
    tpu.enqueue_dma source(%dma_start3A_900 : memref<32x8x128xf32, #tpu.memory_space<vmem>>) target(%dma_start3A_895 : memref<32x8x128xf32, #tpu.memory_space<hbm>>) target_semaphore(%arg32 : memref<!tpu.dma_semaphore, #tpu.memory_space<semaphore_mem>>)
    %dma_wait3A_901 = arith.constant 2 : i32
    %dma_wait3A_902 = arith.constant 0 : i32
    %dma_wait3A_903 = arith.constant 0 : i32
    %dma_wait3A_904 = arith.constant 0 : i32
    %dma_wait3A_905 = tpu.memref_slice %arg26[%dma_wait3A_901, %dma_wait3A_902, %dma_wait3A_903, %dma_wait3A_904] : memref<3x32x8x128xf32, #tpu.memory_space<vmem>> -> memref<1x32x8x128xf32, #tpu.memory_space<vmem>>
    %dma_wait3A_906 = tpu.memref_squeeze %dma_wait3A_905 : memref<1x32x8x128xf32, #tpu.memory_space<vmem>> -> memref<32x8x128xf32, #tpu.memory_space<vmem>>
    %dma_wait3A_907 = arith.constant 0 : i32
    %dma_wait3A_908 = arith.constant 0 : i32
    %dma_wait3A_909 = tpu.memref_slice %arg6[%add3A_883, %dma_wait3A_907, %dma_wait3A_908] : memref<16384x8x128xf32, #tpu.memory_space<hbm>> -> memref<32x8x128xf32, #tpu.memory_space<hbm>>
    %dma_wait3A_910 = arith.constant 0 : i32
    %dma_wait3A_911 = arith.constant 0 : i32
    %dma_wait3A_912 = tpu.memref_slice %arg6[%add3A_883, %dma_wait3A_910, %dma_wait3A_911] : memref<16384x8x128xf32, #tpu.memory_space<hbm>> -> memref<32x8x128xf32, #tpu.memory_space<hbm>>
    %dma_wait3A_913 = arith.constant 0 : i32
    %dma_wait3A_914 = arith.constant 0 : i32
    %dma_wait3A_915 = arith.constant 0 : i32
    %dma_wait3A_916 = tpu.memref_slice %arg26[%dma_wait3A_901, %dma_wait3A_913, %dma_wait3A_914, %dma_wait3A_915] : memref<3x32x8x128xf32, #tpu.memory_space<vmem>> -> memref<1x32x8x128xf32, #tpu.memory_space<vmem>>
    %dma_wait3A_917 = tpu.memref_squeeze %dma_wait3A_916 : memref<1x32x8x128xf32, #tpu.memory_space<vmem>> -> memref<32x8x128xf32, #tpu.memory_space<vmem>>
    tpu.wait_dma2 semaphore(%arg32 : memref<!tpu.dma_semaphore, #tpu.memory_space<semaphore_mem>>) src(%dma_wait3A_917 : memref<32x8x128xf32, #tpu.memory_space<vmem>>) dst(%dma_wait3A_912 : memref<32x8x128xf32, #tpu.memory_space<hbm>>)
    %dma_start3A_918 = arith.constant 2 : i32
    %dma_start3A_919 = arith.constant 0 : i32
    %dma_start3A_920 = arith.constant 0 : i32
    %dma_start3A_921 = arith.constant 0 : i32
    %dma_start3A_922 = tpu.memref_slice %arg26[%dma_start3A_918, %dma_start3A_919, %dma_start3A_920, %dma_start3A_921] : memref<3x32x8x128xf32, #tpu.memory_space<vmem>> -> memref<1x32x8x128xf32, #tpu.memory_space<vmem>>
    %dma_start3A_923 = tpu.memref_squeeze %dma_start3A_922 : memref<1x32x8x128xf32, #tpu.memory_space<vmem>> -> memref<32x8x128xf32, #tpu.memory_space<vmem>>
    %dma_start3A_924 = arith.constant 0 : i32
    %dma_start3A_925 = arith.constant 0 : i32
    %dma_start3A_926 = arith.constant 0 : i32
    %dma_start3A_927 = tpu.memref_slice %arg2[%dma_start3A_924, %dma_start3A_925, %dma_start3A_926] : memref<100000x8x128xf32, #tpu.memory_space<hbm>> -> memref<100000x8x128xf32, #tpu.memory_space<hbm>>
    tpu.enqueue_indirect_dma source(%dma_start3A_927 : memref<100000x8x128xf32, #tpu.memory_space<hbm>>) target(%dma_start3A_923 : memref<32x8x128xf32, #tpu.memory_space<vmem>>) offsets(%arg20 : memref<32xi32, #tpu.memory_space<vmem>>) semaphore(%arg29 : memref<!tpu.dma_semaphore, #tpu.memory_space<semaphore_mem>>)
    %dma_wait3A_928 = arith.constant 0 : i32
    %dma_wait3A_929 = arith.constant 0 : i32
    %dma_wait3A_930 = arith.constant 0 : i32
    %dma_wait3A_931 = arith.constant 0 : i32
    %dma_wait3A_932 = tpu.memref_slice %arg26[%dma_wait3A_928, %dma_wait3A_929, %dma_wait3A_930, %dma_wait3A_931] : memref<3x32x8x128xf32, #tpu.memory_space<vmem>> -> memref<1x32x8x128xf32, #tpu.memory_space<vmem>>
    %dma_wait3A_933 = tpu.memref_squeeze %dma_wait3A_932 : memref<1x32x8x128xf32, #tpu.memory_space<vmem>> -> memref<32x8x128xf32, #tpu.memory_space<vmem>>
    %dma_wait3A_934 = arith.constant 0 : i32
    %dma_wait3A_935 = arith.constant 0 : i32
    %dma_wait3A_936 = arith.constant 0 : i32
    %dma_wait3A_937 = tpu.memref_slice %arg2[%dma_wait3A_934, %dma_wait3A_935, %dma_wait3A_936] : memref<100000x8x128xf32, #tpu.memory_space<hbm>> -> memref<100000x8x128xf32, #tpu.memory_space<hbm>>
    tpu.wait_indirect_dma semaphore(%arg27 : memref<!tpu.dma_semaphore, #tpu.memory_space<semaphore_mem>>) src(%dma_wait3A_937 : memref<100000x8x128xf32, #tpu.memory_space<hbm>>) dst(%dma_wait3A_933 : memref<32x8x128xf32, #tpu.memory_space<vmem>>)
    %add3A_938 = arith.constant 288 : i32
    %add3A_939 = arith.addi %mul3A_2, %add3A_938 : i32
    %dma_start3A_940 = arith.constant 0 : i32
    %dma_start3A_941 = arith.constant 0 : i32
    %dma_start3A_942 = arith.constant 0 : i32
    %dma_start3A_943 = arith.constant 0 : i32
    %dma_start3A_944 = tpu.memref_slice %arg26[%dma_start3A_940, %dma_start3A_941, %dma_start3A_942, %dma_start3A_943] : memref<3x32x8x128xf32, #tpu.memory_space<vmem>> -> memref<1x32x8x128xf32, #tpu.memory_space<vmem>>
    %dma_start3A_945 = tpu.memref_squeeze %dma_start3A_944 : memref<1x32x8x128xf32, #tpu.memory_space<vmem>> -> memref<32x8x128xf32, #tpu.memory_space<vmem>>
    %dma_start3A_946 = arith.constant 0 : i32
    %dma_start3A_947 = arith.constant 0 : i32
    %dma_start3A_948 = tpu.memref_slice %arg6[%add3A_939, %dma_start3A_946, %dma_start3A_947] : memref<16384x8x128xf32, #tpu.memory_space<hbm>> -> memref<32x8x128xf32, #tpu.memory_space<hbm>>
    %dma_start3A_949 = arith.constant 0 : i32
    %dma_start3A_950 = arith.constant 0 : i32
    %dma_start3A_951 = tpu.memref_slice %arg6[%add3A_939, %dma_start3A_949, %dma_start3A_950] : memref<16384x8x128xf32, #tpu.memory_space<hbm>> -> memref<32x8x128xf32, #tpu.memory_space<hbm>>
    %dma_start3A_952 = arith.constant 0 : i32
    %dma_start3A_953 = arith.constant 0 : i32
    %dma_start3A_954 = arith.constant 0 : i32
    %dma_start3A_955 = tpu.memref_slice %arg26[%dma_start3A_940, %dma_start3A_952, %dma_start3A_953, %dma_start3A_954] : memref<3x32x8x128xf32, #tpu.memory_space<vmem>> -> memref<1x32x8x128xf32, #tpu.memory_space<vmem>>
    %dma_start3A_956 = tpu.memref_squeeze %dma_start3A_955 : memref<1x32x8x128xf32, #tpu.memory_space<vmem>> -> memref<32x8x128xf32, #tpu.memory_space<vmem>>
    tpu.enqueue_dma source(%dma_start3A_956 : memref<32x8x128xf32, #tpu.memory_space<vmem>>) target(%dma_start3A_951 : memref<32x8x128xf32, #tpu.memory_space<hbm>>) target_semaphore(%arg30 : memref<!tpu.dma_semaphore, #tpu.memory_space<semaphore_mem>>)
    %dma_wait3A_957 = arith.constant 0 : i32
    %dma_wait3A_958 = arith.constant 0 : i32
    %dma_wait3A_959 = arith.constant 0 : i32
    %dma_wait3A_960 = arith.constant 0 : i32
    %dma_wait3A_961 = tpu.memref_slice %arg26[%dma_wait3A_957, %dma_wait3A_958, %dma_wait3A_959, %dma_wait3A_960] : memref<3x32x8x128xf32, #tpu.memory_space<vmem>> -> memref<1x32x8x128xf32, #tpu.memory_space<vmem>>
    %dma_wait3A_962 = tpu.memref_squeeze %dma_wait3A_961 : memref<1x32x8x128xf32, #tpu.memory_space<vmem>> -> memref<32x8x128xf32, #tpu.memory_space<vmem>>
    %dma_wait3A_963 = arith.constant 0 : i32
    %dma_wait3A_964 = arith.constant 0 : i32
    %dma_wait3A_965 = tpu.memref_slice %arg6[%add3A_939, %dma_wait3A_963, %dma_wait3A_964] : memref<16384x8x128xf32, #tpu.memory_space<hbm>> -> memref<32x8x128xf32, #tpu.memory_space<hbm>>
    %dma_wait3A_966 = arith.constant 0 : i32
    %dma_wait3A_967 = arith.constant 0 : i32
    %dma_wait3A_968 = tpu.memref_slice %arg6[%add3A_939, %dma_wait3A_966, %dma_wait3A_967] : memref<16384x8x128xf32, #tpu.memory_space<hbm>> -> memref<32x8x128xf32, #tpu.memory_space<hbm>>
    %dma_wait3A_969 = arith.constant 0 : i32
    %dma_wait3A_970 = arith.constant 0 : i32
    %dma_wait3A_971 = arith.constant 0 : i32
    %dma_wait3A_972 = tpu.memref_slice %arg26[%dma_wait3A_957, %dma_wait3A_969, %dma_wait3A_970, %dma_wait3A_971] : memref<3x32x8x128xf32, #tpu.memory_space<vmem>> -> memref<1x32x8x128xf32, #tpu.memory_space<vmem>>
    %dma_wait3A_973 = tpu.memref_squeeze %dma_wait3A_972 : memref<1x32x8x128xf32, #tpu.memory_space<vmem>> -> memref<32x8x128xf32, #tpu.memory_space<vmem>>
    tpu.wait_dma2 semaphore(%arg30 : memref<!tpu.dma_semaphore, #tpu.memory_space<semaphore_mem>>) src(%dma_wait3A_973 : memref<32x8x128xf32, #tpu.memory_space<vmem>>) dst(%dma_wait3A_968 : memref<32x8x128xf32, #tpu.memory_space<hbm>>)
    %dma_start3A_974 = arith.constant 0 : i32
    %dma_start3A_975 = arith.constant 0 : i32
    %dma_start3A_976 = arith.constant 0 : i32
    %dma_start3A_977 = arith.constant 0 : i32
    %dma_start3A_978 = tpu.memref_slice %arg26[%dma_start3A_974, %dma_start3A_975, %dma_start3A_976, %dma_start3A_977] : memref<3x32x8x128xf32, #tpu.memory_space<vmem>> -> memref<1x32x8x128xf32, #tpu.memory_space<vmem>>
    %dma_start3A_979 = tpu.memref_squeeze %dma_start3A_978 : memref<1x32x8x128xf32, #tpu.memory_space<vmem>> -> memref<32x8x128xf32, #tpu.memory_space<vmem>>
    %dma_start3A_980 = arith.constant 0 : i32
    %dma_start3A_981 = arith.constant 0 : i32
    %dma_start3A_982 = arith.constant 0 : i32
    %dma_start3A_983 = tpu.memref_slice %arg2[%dma_start3A_980, %dma_start3A_981, %dma_start3A_982] : memref<100000x8x128xf32, #tpu.memory_space<hbm>> -> memref<100000x8x128xf32, #tpu.memory_space<hbm>>
    tpu.enqueue_indirect_dma source(%dma_start3A_983 : memref<100000x8x128xf32, #tpu.memory_space<hbm>>) target(%dma_start3A_979 : memref<32x8x128xf32, #tpu.memory_space<vmem>>) offsets(%arg21 : memref<32xi32, #tpu.memory_space<vmem>>) semaphore(%arg27 : memref<!tpu.dma_semaphore, #tpu.memory_space<semaphore_mem>>)
    %dma_wait3A_984 = arith.constant 1 : i32
    %dma_wait3A_985 = arith.constant 0 : i32
    %dma_wait3A_986 = arith.constant 0 : i32
    %dma_wait3A_987 = arith.constant 0 : i32
    %dma_wait3A_988 = tpu.memref_slice %arg26[%dma_wait3A_984, %dma_wait3A_985, %dma_wait3A_986, %dma_wait3A_987] : memref<3x32x8x128xf32, #tpu.memory_space<vmem>> -> memref<1x32x8x128xf32, #tpu.memory_space<vmem>>
    %dma_wait3A_989 = tpu.memref_squeeze %dma_wait3A_988 : memref<1x32x8x128xf32, #tpu.memory_space<vmem>> -> memref<32x8x128xf32, #tpu.memory_space<vmem>>
    %dma_wait3A_990 = arith.constant 0 : i32
    %dma_wait3A_991 = arith.constant 0 : i32
    %dma_wait3A_992 = arith.constant 0 : i32
    %dma_wait3A_993 = tpu.memref_slice %arg2[%dma_wait3A_990, %dma_wait3A_991, %dma_wait3A_992] : memref<100000x8x128xf32, #tpu.memory_space<hbm>> -> memref<100000x8x128xf32, #tpu.memory_space<hbm>>
    tpu.wait_indirect_dma semaphore(%arg28 : memref<!tpu.dma_semaphore, #tpu.memory_space<semaphore_mem>>) src(%dma_wait3A_993 : memref<100000x8x128xf32, #tpu.memory_space<hbm>>) dst(%dma_wait3A_989 : memref<32x8x128xf32, #tpu.memory_space<vmem>>)
    %add3A_994 = arith.constant 320 : i32
    %add3A_995 = arith.addi %mul3A_2, %add3A_994 : i32
    %dma_start3A_996 = arith.constant 1 : i32
    %dma_start3A_997 = arith.constant 0 : i32
    %dma_start3A_998 = arith.constant 0 : i32
    %dma_start3A_999 = arith.constant 0 : i32
    %dma_start3A_1000 = tpu.memref_slice %arg26[%dma_start3A_996, %dma_start3A_997, %dma_start3A_998, %dma_start3A_999] : memref<3x32x8x128xf32, #tpu.memory_space<vmem>> -> memref<1x32x8x128xf32, #tpu.memory_space<vmem>>
    %dma_start3A_1001 = tpu.memref_squeeze %dma_start3A_1000 : memref<1x32x8x128xf32, #tpu.memory_space<vmem>> -> memref<32x8x128xf32, #tpu.memory_space<vmem>>
    %dma_start3A_1002 = arith.constant 0 : i32
    %dma_start3A_1003 = arith.constant 0 : i32
    %dma_start3A_1004 = tpu.memref_slice %arg6[%add3A_995, %dma_start3A_1002, %dma_start3A_1003] : memref<16384x8x128xf32, #tpu.memory_space<hbm>> -> memref<32x8x128xf32, #tpu.memory_space<hbm>>
    %dma_start3A_1005 = arith.constant 0 : i32
    %dma_start3A_1006 = arith.constant 0 : i32
    %dma_start3A_1007 = tpu.memref_slice %arg6[%add3A_995, %dma_start3A_1005, %dma_start3A_1006] : memref<16384x8x128xf32, #tpu.memory_space<hbm>> -> memref<32x8x128xf32, #tpu.memory_space<hbm>>
    %dma_start3A_1008 = arith.constant 0 : i32
    %dma_start3A_1009 = arith.constant 0 : i32
    %dma_start3A_1010 = arith.constant 0 : i32
    %dma_start3A_1011 = tpu.memref_slice %arg26[%dma_start3A_996, %dma_start3A_1008, %dma_start3A_1009, %dma_start3A_1010] : memref<3x32x8x128xf32, #tpu.memory_space<vmem>> -> memref<1x32x8x128xf32, #tpu.memory_space<vmem>>
    %dma_start3A_1012 = tpu.memref_squeeze %dma_start3A_1011 : memref<1x32x8x128xf32, #tpu.memory_space<vmem>> -> memref<32x8x128xf32, #tpu.memory_space<vmem>>
    tpu.enqueue_dma source(%dma_start3A_1012 : memref<32x8x128xf32, #tpu.memory_space<vmem>>) target(%dma_start3A_1007 : memref<32x8x128xf32, #tpu.memory_space<hbm>>) target_semaphore(%arg31 : memref<!tpu.dma_semaphore, #tpu.memory_space<semaphore_mem>>)
    %dma_wait3A_1013 = arith.constant 1 : i32
    %dma_wait3A_1014 = arith.constant 0 : i32
    %dma_wait3A_1015 = arith.constant 0 : i32
    %dma_wait3A_1016 = arith.constant 0 : i32
    %dma_wait3A_1017 = tpu.memref_slice %arg26[%dma_wait3A_1013, %dma_wait3A_1014, %dma_wait3A_1015, %dma_wait3A_1016] : memref<3x32x8x128xf32, #tpu.memory_space<vmem>> -> memref<1x32x8x128xf32, #tpu.memory_space<vmem>>
    %dma_wait3A_1018 = tpu.memref_squeeze %dma_wait3A_1017 : memref<1x32x8x128xf32, #tpu.memory_space<vmem>> -> memref<32x8x128xf32, #tpu.memory_space<vmem>>
    %dma_wait3A_1019 = arith.constant 0 : i32
    %dma_wait3A_1020 = arith.constant 0 : i32
    %dma_wait3A_1021 = tpu.memref_slice %arg6[%add3A_995, %dma_wait3A_1019, %dma_wait3A_1020] : memref<16384x8x128xf32, #tpu.memory_space<hbm>> -> memref<32x8x128xf32, #tpu.memory_space<hbm>>
    %dma_wait3A_1022 = arith.constant 0 : i32
    %dma_wait3A_1023 = arith.constant 0 : i32
    %dma_wait3A_1024 = tpu.memref_slice %arg6[%add3A_995, %dma_wait3A_1022, %dma_wait3A_1023] : memref<16384x8x128xf32, #tpu.memory_space<hbm>> -> memref<32x8x128xf32, #tpu.memory_space<hbm>>
    %dma_wait3A_1025 = arith.constant 0 : i32
    %dma_wait3A_1026 = arith.constant 0 : i32
    %dma_wait3A_1027 = arith.constant 0 : i32
    %dma_wait3A_1028 = tpu.memref_slice %arg26[%dma_wait3A_1013, %dma_wait3A_1025, %dma_wait3A_1026, %dma_wait3A_1027] : memref<3x32x8x128xf32, #tpu.memory_space<vmem>> -> memref<1x32x8x128xf32, #tpu.memory_space<vmem>>
    %dma_wait3A_1029 = tpu.memref_squeeze %dma_wait3A_1028 : memref<1x32x8x128xf32, #tpu.memory_space<vmem>> -> memref<32x8x128xf32, #tpu.memory_space<vmem>>
    tpu.wait_dma2 semaphore(%arg31 : memref<!tpu.dma_semaphore, #tpu.memory_space<semaphore_mem>>) src(%dma_wait3A_1029 : memref<32x8x128xf32, #tpu.memory_space<vmem>>) dst(%dma_wait3A_1024 : memref<32x8x128xf32, #tpu.memory_space<hbm>>)
    %dma_start3A_1030 = arith.constant 1 : i32
    %dma_start3A_1031 = arith.constant 0 : i32
    %dma_start3A_1032 = arith.constant 0 : i32
    %dma_start3A_1033 = arith.constant 0 : i32
    %dma_start3A_1034 = tpu.memref_slice %arg26[%dma_start3A_1030, %dma_start3A_1031, %dma_start3A_1032, %dma_start3A_1033] : memref<3x32x8x128xf32, #tpu.memory_space<vmem>> -> memref<1x32x8x128xf32, #tpu.memory_space<vmem>>
    %dma_start3A_1035 = tpu.memref_squeeze %dma_start3A_1034 : memref<1x32x8x128xf32, #tpu.memory_space<vmem>> -> memref<32x8x128xf32, #tpu.memory_space<vmem>>
    %dma_start3A_1036 = arith.constant 0 : i32
    %dma_start3A_1037 = arith.constant 0 : i32
    %dma_start3A_1038 = arith.constant 0 : i32
    %dma_start3A_1039 = tpu.memref_slice %arg2[%dma_start3A_1036, %dma_start3A_1037, %dma_start3A_1038] : memref<100000x8x128xf32, #tpu.memory_space<hbm>> -> memref<100000x8x128xf32, #tpu.memory_space<hbm>>
    tpu.enqueue_indirect_dma source(%dma_start3A_1039 : memref<100000x8x128xf32, #tpu.memory_space<hbm>>) target(%dma_start3A_1035 : memref<32x8x128xf32, #tpu.memory_space<vmem>>) offsets(%arg22 : memref<32xi32, #tpu.memory_space<vmem>>) semaphore(%arg28 : memref<!tpu.dma_semaphore, #tpu.memory_space<semaphore_mem>>)
    %dma_wait3A_1040 = arith.constant 2 : i32
    %dma_wait3A_1041 = arith.constant 0 : i32
    %dma_wait3A_1042 = arith.constant 0 : i32
    %dma_wait3A_1043 = arith.constant 0 : i32
    %dma_wait3A_1044 = tpu.memref_slice %arg26[%dma_wait3A_1040, %dma_wait3A_1041, %dma_wait3A_1042, %dma_wait3A_1043] : memref<3x32x8x128xf32, #tpu.memory_space<vmem>> -> memref<1x32x8x128xf32, #tpu.memory_space<vmem>>
    %dma_wait3A_1045 = tpu.memref_squeeze %dma_wait3A_1044 : memref<1x32x8x128xf32, #tpu.memory_space<vmem>> -> memref<32x8x128xf32, #tpu.memory_space<vmem>>
    %dma_wait3A_1046 = arith.constant 0 : i32
    %dma_wait3A_1047 = arith.constant 0 : i32
    %dma_wait3A_1048 = arith.constant 0 : i32
    %dma_wait3A_1049 = tpu.memref_slice %arg2[%dma_wait3A_1046, %dma_wait3A_1047, %dma_wait3A_1048] : memref<100000x8x128xf32, #tpu.memory_space<hbm>> -> memref<100000x8x128xf32, #tpu.memory_space<hbm>>
    tpu.wait_indirect_dma semaphore(%arg29 : memref<!tpu.dma_semaphore, #tpu.memory_space<semaphore_mem>>) src(%dma_wait3A_1049 : memref<100000x8x128xf32, #tpu.memory_space<hbm>>) dst(%dma_wait3A_1045 : memref<32x8x128xf32, #tpu.memory_space<vmem>>)
    %add3A_1050 = arith.constant 352 : i32
    %add3A_1051 = arith.addi %mul3A_2, %add3A_1050 : i32
    %dma_start3A_1052 = arith.constant 2 : i32
    %dma_start3A_1053 = arith.constant 0 : i32
    %dma_start3A_1054 = arith.constant 0 : i32
    %dma_start3A_1055 = arith.constant 0 : i32
    %dma_start3A_1056 = tpu.memref_slice %arg26[%dma_start3A_1052, %dma_start3A_1053, %dma_start3A_1054, %dma_start3A_1055] : memref<3x32x8x128xf32, #tpu.memory_space<vmem>> -> memref<1x32x8x128xf32, #tpu.memory_space<vmem>>
    %dma_start3A_1057 = tpu.memref_squeeze %dma_start3A_1056 : memref<1x32x8x128xf32, #tpu.memory_space<vmem>> -> memref<32x8x128xf32, #tpu.memory_space<vmem>>
    %dma_start3A_1058 = arith.constant 0 : i32
    %dma_start3A_1059 = arith.constant 0 : i32
    %dma_start3A_1060 = tpu.memref_slice %arg6[%add3A_1051, %dma_start3A_1058, %dma_start3A_1059] : memref<16384x8x128xf32, #tpu.memory_space<hbm>> -> memref<32x8x128xf32, #tpu.memory_space<hbm>>
    %dma_start3A_1061 = arith.constant 0 : i32
    %dma_start3A_1062 = arith.constant 0 : i32
    %dma_start3A_1063 = tpu.memref_slice %arg6[%add3A_1051, %dma_start3A_1061, %dma_start3A_1062] : memref<16384x8x128xf32, #tpu.memory_space<hbm>> -> memref<32x8x128xf32, #tpu.memory_space<hbm>>
    %dma_start3A_1064 = arith.constant 0 : i32
    %dma_start3A_1065 = arith.constant 0 : i32
    %dma_start3A_1066 = arith.constant 0 : i32
    %dma_start3A_1067 = tpu.memref_slice %arg26[%dma_start3A_1052, %dma_start3A_1064, %dma_start3A_1065, %dma_start3A_1066] : memref<3x32x8x128xf32, #tpu.memory_space<vmem>> -> memref<1x32x8x128xf32, #tpu.memory_space<vmem>>
    %dma_start3A_1068 = tpu.memref_squeeze %dma_start3A_1067 : memref<1x32x8x128xf32, #tpu.memory_space<vmem>> -> memref<32x8x128xf32, #tpu.memory_space<vmem>>
    tpu.enqueue_dma source(%dma_start3A_1068 : memref<32x8x128xf32, #tpu.memory_space<vmem>>) target(%dma_start3A_1063 : memref<32x8x128xf32, #tpu.memory_space<hbm>>) target_semaphore(%arg32 : memref<!tpu.dma_semaphore, #tpu.memory_space<semaphore_mem>>)
    %dma_wait3A_1069 = arith.constant 2 : i32
    %dma_wait3A_1070 = arith.constant 0 : i32
    %dma_wait3A_1071 = arith.constant 0 : i32
    %dma_wait3A_1072 = arith.constant 0 : i32
    %dma_wait3A_1073 = tpu.memref_slice %arg26[%dma_wait3A_1069, %dma_wait3A_1070, %dma_wait3A_1071, %dma_wait3A_1072] : memref<3x32x8x128xf32, #tpu.memory_space<vmem>> -> memref<1x32x8x128xf32, #tpu.memory_space<vmem>>
    %dma_wait3A_1074 = tpu.memref_squeeze %dma_wait3A_1073 : memref<1x32x8x128xf32, #tpu.memory_space<vmem>> -> memref<32x8x128xf32, #tpu.memory_space<vmem>>
    %dma_wait3A_1075 = arith.constant 0 : i32
    %dma_wait3A_1076 = arith.constant 0 : i32
    %dma_wait3A_1077 = tpu.memref_slice %arg6[%add3A_1051, %dma_wait3A_1075, %dma_wait3A_1076] : memref<16384x8x128xf32, #tpu.memory_space<hbm>> -> memref<32x8x128xf32, #tpu.memory_space<hbm>>
    %dma_wait3A_1078 = arith.constant 0 : i32
    %dma_wait3A_1079 = arith.constant 0 : i32
    %dma_wait3A_1080 = tpu.memref_slice %arg6[%add3A_1051, %dma_wait3A_1078, %dma_wait3A_1079] : memref<16384x8x128xf32, #tpu.memory_space<hbm>> -> memref<32x8x128xf32, #tpu.memory_space<hbm>>
    %dma_wait3A_1081 = arith.constant 0 : i32
    %dma_wait3A_1082 = arith.constant 0 : i32
    %dma_wait3A_1083 = arith.constant 0 : i32
    %dma_wait3A_1084 = tpu.memref_slice %arg26[%dma_wait3A_1069, %dma_wait3A_1081, %dma_wait3A_1082, %dma_wait3A_1083] : memref<3x32x8x128xf32, #tpu.memory_space<vmem>> -> memref<1x32x8x128xf32, #tpu.memory_space<vmem>>
    %dma_wait3A_1085 = tpu.memref_squeeze %dma_wait3A_1084 : memref<1x32x8x128xf32, #tpu.memory_space<vmem>> -> memref<32x8x128xf32, #tpu.memory_space<vmem>>
    tpu.wait_dma2 semaphore(%arg32 : memref<!tpu.dma_semaphore, #tpu.memory_space<semaphore_mem>>) src(%dma_wait3A_1085 : memref<32x8x128xf32, #tpu.memory_space<vmem>>) dst(%dma_wait3A_1080 : memref<32x8x128xf32, #tpu.memory_space<hbm>>)
    %dma_start3A_1086 = arith.constant 2 : i32
    %dma_start3A_1087 = arith.constant 0 : i32
    %dma_start3A_1088 = arith.constant 0 : i32
    %dma_start3A_1089 = arith.constant 0 : i32
    %dma_start3A_1090 = tpu.memref_slice %arg26[%dma_start3A_1086, %dma_start3A_1087, %dma_start3A_1088, %dma_start3A_1089] : memref<3x32x8x128xf32, #tpu.memory_space<vmem>> -> memref<1x32x8x128xf32, #tpu.memory_space<vmem>>
    %dma_start3A_1091 = tpu.memref_squeeze %dma_start3A_1090 : memref<1x32x8x128xf32, #tpu.memory_space<vmem>> -> memref<32x8x128xf32, #tpu.memory_space<vmem>>
    %dma_start3A_1092 = arith.constant 0 : i32
    %dma_start3A_1093 = arith.constant 0 : i32
    %dma_start3A_1094 = arith.constant 0 : i32
    %dma_start3A_1095 = tpu.memref_slice %arg2[%dma_start3A_1092, %dma_start3A_1093, %dma_start3A_1094] : memref<100000x8x128xf32, #tpu.memory_space<hbm>> -> memref<100000x8x128xf32, #tpu.memory_space<hbm>>
    tpu.enqueue_indirect_dma source(%dma_start3A_1095 : memref<100000x8x128xf32, #tpu.memory_space<hbm>>) target(%dma_start3A_1091 : memref<32x8x128xf32, #tpu.memory_space<vmem>>) offsets(%arg23 : memref<32xi32, #tpu.memory_space<vmem>>) semaphore(%arg29 : memref<!tpu.dma_semaphore, #tpu.memory_space<semaphore_mem>>)
    %dma_wait3A_1096 = arith.constant 0 : i32
    %dma_wait3A_1097 = arith.constant 0 : i32
    %dma_wait3A_1098 = arith.constant 0 : i32
    %dma_wait3A_1099 = arith.constant 0 : i32
    %dma_wait3A_1100 = tpu.memref_slice %arg26[%dma_wait3A_1096, %dma_wait3A_1097, %dma_wait3A_1098, %dma_wait3A_1099] : memref<3x32x8x128xf32, #tpu.memory_space<vmem>> -> memref<1x32x8x128xf32, #tpu.memory_space<vmem>>
    %dma_wait3A_1101 = tpu.memref_squeeze %dma_wait3A_1100 : memref<1x32x8x128xf32, #tpu.memory_space<vmem>> -> memref<32x8x128xf32, #tpu.memory_space<vmem>>
    %dma_wait3A_1102 = arith.constant 0 : i32
    %dma_wait3A_1103 = arith.constant 0 : i32
    %dma_wait3A_1104 = arith.constant 0 : i32
    %dma_wait3A_1105 = tpu.memref_slice %arg2[%dma_wait3A_1102, %dma_wait3A_1103, %dma_wait3A_1104] : memref<100000x8x128xf32, #tpu.memory_space<hbm>> -> memref<100000x8x128xf32, #tpu.memory_space<hbm>>
    tpu.wait_indirect_dma semaphore(%arg27 : memref<!tpu.dma_semaphore, #tpu.memory_space<semaphore_mem>>) src(%dma_wait3A_1105 : memref<100000x8x128xf32, #tpu.memory_space<hbm>>) dst(%dma_wait3A_1101 : memref<32x8x128xf32, #tpu.memory_space<vmem>>)
    %add3A_1106 = arith.constant 384 : i32
    %add3A_1107 = arith.addi %mul3A_2, %add3A_1106 : i32
    %dma_start3A_1108 = arith.constant 0 : i32
    %dma_start3A_1109 = arith.constant 0 : i32
    %dma_start3A_1110 = arith.constant 0 : i32
    %dma_start3A_1111 = arith.constant 0 : i32
    %dma_start3A_1112 = tpu.memref_slice %arg26[%dma_start3A_1108, %dma_start3A_1109, %dma_start3A_1110, %dma_start3A_1111] : memref<3x32x8x128xf32, #tpu.memory_space<vmem>> -> memref<1x32x8x128xf32, #tpu.memory_space<vmem>>
    %dma_start3A_1113 = tpu.memref_squeeze %dma_start3A_1112 : memref<1x32x8x128xf32, #tpu.memory_space<vmem>> -> memref<32x8x128xf32, #tpu.memory_space<vmem>>
    %dma_start3A_1114 = arith.constant 0 : i32
    %dma_start3A_1115 = arith.constant 0 : i32
    %dma_start3A_1116 = tpu.memref_slice %arg6[%add3A_1107, %dma_start3A_1114, %dma_start3A_1115] : memref<16384x8x128xf32, #tpu.memory_space<hbm>> -> memref<32x8x128xf32, #tpu.memory_space<hbm>>
    %dma_start3A_1117 = arith.constant 0 : i32
    %dma_start3A_1118 = arith.constant 0 : i32
    %dma_start3A_1119 = tpu.memref_slice %arg6[%add3A_1107, %dma_start3A_1117, %dma_start3A_1118] : memref<16384x8x128xf32, #tpu.memory_space<hbm>> -> memref<32x8x128xf32, #tpu.memory_space<hbm>>
    %dma_start3A_1120 = arith.constant 0 : i32
    %dma_start3A_1121 = arith.constant 0 : i32
    %dma_start3A_1122 = arith.constant 0 : i32
    %dma_start3A_1123 = tpu.memref_slice %arg26[%dma_start3A_1108, %dma_start3A_1120, %dma_start3A_1121, %dma_start3A_1122] : memref<3x32x8x128xf32, #tpu.memory_space<vmem>> -> memref<1x32x8x128xf32, #tpu.memory_space<vmem>>
    %dma_start3A_1124 = tpu.memref_squeeze %dma_start3A_1123 : memref<1x32x8x128xf32, #tpu.memory_space<vmem>> -> memref<32x8x128xf32, #tpu.memory_space<vmem>>
    tpu.enqueue_dma source(%dma_start3A_1124 : memref<32x8x128xf32, #tpu.memory_space<vmem>>) target(%dma_start3A_1119 : memref<32x8x128xf32, #tpu.memory_space<hbm>>) target_semaphore(%arg30 : memref<!tpu.dma_semaphore, #tpu.memory_space<semaphore_mem>>)
    %dma_wait3A_1125 = arith.constant 0 : i32
    %dma_wait3A_1126 = arith.constant 0 : i32
    %dma_wait3A_1127 = arith.constant 0 : i32
    %dma_wait3A_1128 = arith.constant 0 : i32
    %dma_wait3A_1129 = tpu.memref_slice %arg26[%dma_wait3A_1125, %dma_wait3A_1126, %dma_wait3A_1127, %dma_wait3A_1128] : memref<3x32x8x128xf32, #tpu.memory_space<vmem>> -> memref<1x32x8x128xf32, #tpu.memory_space<vmem>>
    %dma_wait3A_1130 = tpu.memref_squeeze %dma_wait3A_1129 : memref<1x32x8x128xf32, #tpu.memory_space<vmem>> -> memref<32x8x128xf32, #tpu.memory_space<vmem>>
    %dma_wait3A_1131 = arith.constant 0 : i32
    %dma_wait3A_1132 = arith.constant 0 : i32
    %dma_wait3A_1133 = tpu.memref_slice %arg6[%add3A_1107, %dma_wait3A_1131, %dma_wait3A_1132] : memref<16384x8x128xf32, #tpu.memory_space<hbm>> -> memref<32x8x128xf32, #tpu.memory_space<hbm>>
    %dma_wait3A_1134 = arith.constant 0 : i32
    %dma_wait3A_1135 = arith.constant 0 : i32
    %dma_wait3A_1136 = tpu.memref_slice %arg6[%add3A_1107, %dma_wait3A_1134, %dma_wait3A_1135] : memref<16384x8x128xf32, #tpu.memory_space<hbm>> -> memref<32x8x128xf32, #tpu.memory_space<hbm>>
    %dma_wait3A_1137 = arith.constant 0 : i32
    %dma_wait3A_1138 = arith.constant 0 : i32
    %dma_wait3A_1139 = arith.constant 0 : i32
    %dma_wait3A_1140 = tpu.memref_slice %arg26[%dma_wait3A_1125, %dma_wait3A_1137, %dma_wait3A_1138, %dma_wait3A_1139] : memref<3x32x8x128xf32, #tpu.memory_space<vmem>> -> memref<1x32x8x128xf32, #tpu.memory_space<vmem>>
    %dma_wait3A_1141 = tpu.memref_squeeze %dma_wait3A_1140 : memref<1x32x8x128xf32, #tpu.memory_space<vmem>> -> memref<32x8x128xf32, #tpu.memory_space<vmem>>
    tpu.wait_dma2 semaphore(%arg30 : memref<!tpu.dma_semaphore, #tpu.memory_space<semaphore_mem>>) src(%dma_wait3A_1141 : memref<32x8x128xf32, #tpu.memory_space<vmem>>) dst(%dma_wait3A_1136 : memref<32x8x128xf32, #tpu.memory_space<hbm>>)
    %dma_start3A_1142 = arith.constant 0 : i32
    %dma_start3A_1143 = arith.constant 0 : i32
    %dma_start3A_1144 = arith.constant 0 : i32
    %dma_start3A_1145 = arith.constant 0 : i32
    %dma_start3A_1146 = tpu.memref_slice %arg26[%dma_start3A_1142, %dma_start3A_1143, %dma_start3A_1144, %dma_start3A_1145] : memref<3x32x8x128xf32, #tpu.memory_space<vmem>> -> memref<1x32x8x128xf32, #tpu.memory_space<vmem>>
    %dma_start3A_1147 = tpu.memref_squeeze %dma_start3A_1146 : memref<1x32x8x128xf32, #tpu.memory_space<vmem>> -> memref<32x8x128xf32, #tpu.memory_space<vmem>>
    %dma_start3A_1148 = arith.constant 0 : i32
    %dma_start3A_1149 = arith.constant 0 : i32
    %dma_start3A_1150 = arith.constant 0 : i32
    %dma_start3A_1151 = tpu.memref_slice %arg2[%dma_start3A_1148, %dma_start3A_1149, %dma_start3A_1150] : memref<100000x8x128xf32, #tpu.memory_space<hbm>> -> memref<100000x8x128xf32, #tpu.memory_space<hbm>>
    tpu.enqueue_indirect_dma source(%dma_start3A_1151 : memref<100000x8x128xf32, #tpu.memory_space<hbm>>) target(%dma_start3A_1147 : memref<32x8x128xf32, #tpu.memory_space<vmem>>) offsets(%arg24 : memref<32xi32, #tpu.memory_space<vmem>>) semaphore(%arg27 : memref<!tpu.dma_semaphore, #tpu.memory_space<semaphore_mem>>)
    %dma_wait3A_1152 = arith.constant 1 : i32
    %dma_wait3A_1153 = arith.constant 0 : i32
    %dma_wait3A_1154 = arith.constant 0 : i32
    %dma_wait3A_1155 = arith.constant 0 : i32
    %dma_wait3A_1156 = tpu.memref_slice %arg26[%dma_wait3A_1152, %dma_wait3A_1153, %dma_wait3A_1154, %dma_wait3A_1155] : memref<3x32x8x128xf32, #tpu.memory_space<vmem>> -> memref<1x32x8x128xf32, #tpu.memory_space<vmem>>
    %dma_wait3A_1157 = tpu.memref_squeeze %dma_wait3A_1156 : memref<1x32x8x128xf32, #tpu.memory_space<vmem>> -> memref<32x8x128xf32, #tpu.memory_space<vmem>>
    %dma_wait3A_1158 = arith.constant 0 : i32
    %dma_wait3A_1159 = arith.constant 0 : i32
    %dma_wait3A_1160 = arith.constant 0 : i32
    %dma_wait3A_1161 = tpu.memref_slice %arg2[%dma_wait3A_1158, %dma_wait3A_1159, %dma_wait3A_1160] : memref<100000x8x128xf32, #tpu.memory_space<hbm>> -> memref<100000x8x128xf32, #tpu.memory_space<hbm>>
    tpu.wait_indirect_dma semaphore(%arg28 : memref<!tpu.dma_semaphore, #tpu.memory_space<semaphore_mem>>) src(%dma_wait3A_1161 : memref<100000x8x128xf32, #tpu.memory_space<hbm>>) dst(%dma_wait3A_1157 : memref<32x8x128xf32, #tpu.memory_space<vmem>>)
    %add3A_1162 = arith.constant 416 : i32
    %add3A_1163 = arith.addi %mul3A_2, %add3A_1162 : i32
    %dma_start3A_1164 = arith.constant 1 : i32
    %dma_start3A_1165 = arith.constant 0 : i32
    %dma_start3A_1166 = arith.constant 0 : i32
    %dma_start3A_1167 = arith.constant 0 : i32
    %dma_start3A_1168 = tpu.memref_slice %arg26[%dma_start3A_1164, %dma_start3A_1165, %dma_start3A_1166, %dma_start3A_1167] : memref<3x32x8x128xf32, #tpu.memory_space<vmem>> -> memref<1x32x8x128xf32, #tpu.memory_space<vmem>>
    %dma_start3A_1169 = tpu.memref_squeeze %dma_start3A_1168 : memref<1x32x8x128xf32, #tpu.memory_space<vmem>> -> memref<32x8x128xf32, #tpu.memory_space<vmem>>
    %dma_start3A_1170 = arith.constant 0 : i32
    %dma_start3A_1171 = arith.constant 0 : i32
    %dma_start3A_1172 = tpu.memref_slice %arg6[%add3A_1163, %dma_start3A_1170, %dma_start3A_1171] : memref<16384x8x128xf32, #tpu.memory_space<hbm>> -> memref<32x8x128xf32, #tpu.memory_space<hbm>>
    %dma_start3A_1173 = arith.constant 0 : i32
    %dma_start3A_1174 = arith.constant 0 : i32
    %dma_start3A_1175 = tpu.memref_slice %arg6[%add3A_1163, %dma_start3A_1173, %dma_start3A_1174] : memref<16384x8x128xf32, #tpu.memory_space<hbm>> -> memref<32x8x128xf32, #tpu.memory_space<hbm>>
    %dma_start3A_1176 = arith.constant 0 : i32
    %dma_start3A_1177 = arith.constant 0 : i32
    %dma_start3A_1178 = arith.constant 0 : i32
    %dma_start3A_1179 = tpu.memref_slice %arg26[%dma_start3A_1164, %dma_start3A_1176, %dma_start3A_1177, %dma_start3A_1178] : memref<3x32x8x128xf32, #tpu.memory_space<vmem>> -> memref<1x32x8x128xf32, #tpu.memory_space<vmem>>
    %dma_start3A_1180 = tpu.memref_squeeze %dma_start3A_1179 : memref<1x32x8x128xf32, #tpu.memory_space<vmem>> -> memref<32x8x128xf32, #tpu.memory_space<vmem>>
    tpu.enqueue_dma source(%dma_start3A_1180 : memref<32x8x128xf32, #tpu.memory_space<vmem>>) target(%dma_start3A_1175 : memref<32x8x128xf32, #tpu.memory_space<hbm>>) target_semaphore(%arg31 : memref<!tpu.dma_semaphore, #tpu.memory_space<semaphore_mem>>)
    %dma_wait3A_1181 = arith.constant 2 : i32
    %dma_wait3A_1182 = arith.constant 0 : i32
    %dma_wait3A_1183 = arith.constant 0 : i32
    %dma_wait3A_1184 = arith.constant 0 : i32
    %dma_wait3A_1185 = tpu.memref_slice %arg26[%dma_wait3A_1181, %dma_wait3A_1182, %dma_wait3A_1183, %dma_wait3A_1184] : memref<3x32x8x128xf32, #tpu.memory_space<vmem>> -> memref<1x32x8x128xf32, #tpu.memory_space<vmem>>
    %dma_wait3A_1186 = tpu.memref_squeeze %dma_wait3A_1185 : memref<1x32x8x128xf32, #tpu.memory_space<vmem>> -> memref<32x8x128xf32, #tpu.memory_space<vmem>>
    %dma_wait3A_1187 = arith.constant 0 : i32
    %dma_wait3A_1188 = arith.constant 0 : i32
    %dma_wait3A_1189 = arith.constant 0 : i32
    %dma_wait3A_1190 = tpu.memref_slice %arg2[%dma_wait3A_1187, %dma_wait3A_1188, %dma_wait3A_1189] : memref<100000x8x128xf32, #tpu.memory_space<hbm>> -> memref<100000x8x128xf32, #tpu.memory_space<hbm>>
    tpu.wait_indirect_dma semaphore(%arg29 : memref<!tpu.dma_semaphore, #tpu.memory_space<semaphore_mem>>) src(%dma_wait3A_1190 : memref<100000x8x128xf32, #tpu.memory_space<hbm>>) dst(%dma_wait3A_1186 : memref<32x8x128xf32, #tpu.memory_space<vmem>>)
    %add3A_1191 = arith.constant 448 : i32
    %add3A_1192 = arith.addi %mul3A_2, %add3A_1191 : i32
    %dma_start3A_1193 = arith.constant 2 : i32
    %dma_start3A_1194 = arith.constant 0 : i32
    %dma_start3A_1195 = arith.constant 0 : i32
    %dma_start3A_1196 = arith.constant 0 : i32
    %dma_start3A_1197 = tpu.memref_slice %arg26[%dma_start3A_1193, %dma_start3A_1194, %dma_start3A_1195, %dma_start3A_1196] : memref<3x32x8x128xf32, #tpu.memory_space<vmem>> -> memref<1x32x8x128xf32, #tpu.memory_space<vmem>>
    %dma_start3A_1198 = tpu.memref_squeeze %dma_start3A_1197 : memref<1x32x8x128xf32, #tpu.memory_space<vmem>> -> memref<32x8x128xf32, #tpu.memory_space<vmem>>
    %dma_start3A_1199 = arith.constant 0 : i32
    %dma_start3A_1200 = arith.constant 0 : i32
    %dma_start3A_1201 = tpu.memref_slice %arg6[%add3A_1192, %dma_start3A_1199, %dma_start3A_1200] : memref<16384x8x128xf32, #tpu.memory_space<hbm>> -> memref<32x8x128xf32, #tpu.memory_space<hbm>>
    %dma_start3A_1202 = arith.constant 0 : i32
    %dma_start3A_1203 = arith.constant 0 : i32
    %dma_start3A_1204 = tpu.memref_slice %arg6[%add3A_1192, %dma_start3A_1202, %dma_start3A_1203] : memref<16384x8x128xf32, #tpu.memory_space<hbm>> -> memref<32x8x128xf32, #tpu.memory_space<hbm>>
    %dma_start3A_1205 = arith.constant 0 : i32
    %dma_start3A_1206 = arith.constant 0 : i32
    %dma_start3A_1207 = arith.constant 0 : i32
    %dma_start3A_1208 = tpu.memref_slice %arg26[%dma_start3A_1193, %dma_start3A_1205, %dma_start3A_1206, %dma_start3A_1207] : memref<3x32x8x128xf32, #tpu.memory_space<vmem>> -> memref<1x32x8x128xf32, #tpu.memory_space<vmem>>
    %dma_start3A_1209 = tpu.memref_squeeze %dma_start3A_1208 : memref<1x32x8x128xf32, #tpu.memory_space<vmem>> -> memref<32x8x128xf32, #tpu.memory_space<vmem>>
    tpu.enqueue_dma source(%dma_start3A_1209 : memref<32x8x128xf32, #tpu.memory_space<vmem>>) target(%dma_start3A_1204 : memref<32x8x128xf32, #tpu.memory_space<hbm>>) target_semaphore(%arg32 : memref<!tpu.dma_semaphore, #tpu.memory_space<semaphore_mem>>)
    %dma_wait3A_1210 = arith.constant 0 : i32
    %dma_wait3A_1211 = arith.constant 0 : i32
    %dma_wait3A_1212 = arith.constant 0 : i32
    %dma_wait3A_1213 = arith.constant 0 : i32
    %dma_wait3A_1214 = tpu.memref_slice %arg26[%dma_wait3A_1210, %dma_wait3A_1211, %dma_wait3A_1212, %dma_wait3A_1213] : memref<3x32x8x128xf32, #tpu.memory_space<vmem>> -> memref<1x32x8x128xf32, #tpu.memory_space<vmem>>
    %dma_wait3A_1215 = tpu.memref_squeeze %dma_wait3A_1214 : memref<1x32x8x128xf32, #tpu.memory_space<vmem>> -> memref<32x8x128xf32, #tpu.memory_space<vmem>>
    %dma_wait3A_1216 = arith.constant 0 : i32
    %dma_wait3A_1217 = arith.constant 0 : i32
    %dma_wait3A_1218 = arith.constant 0 : i32
    %dma_wait3A_1219 = tpu.memref_slice %arg2[%dma_wait3A_1216, %dma_wait3A_1217, %dma_wait3A_1218] : memref<100000x8x128xf32, #tpu.memory_space<hbm>> -> memref<100000x8x128xf32, #tpu.memory_space<hbm>>
    tpu.wait_indirect_dma semaphore(%arg27 : memref<!tpu.dma_semaphore, #tpu.memory_space<semaphore_mem>>) src(%dma_wait3A_1219 : memref<100000x8x128xf32, #tpu.memory_space<hbm>>) dst(%dma_wait3A_1215 : memref<32x8x128xf32, #tpu.memory_space<vmem>>)
    %add3A_1220 = arith.constant 480 : i32
    %add3A_1221 = arith.addi %mul3A_2, %add3A_1220 : i32
    %dma_start3A_1222 = arith.constant 0 : i32
    %dma_start3A_1223 = arith.constant 0 : i32
    %dma_start3A_1224 = arith.constant 0 : i32
    %dma_start3A_1225 = arith.constant 0 : i32
    %dma_start3A_1226 = tpu.memref_slice %arg26[%dma_start3A_1222, %dma_start3A_1223, %dma_start3A_1224, %dma_start3A_1225] : memref<3x32x8x128xf32, #tpu.memory_space<vmem>> -> memref<1x32x8x128xf32, #tpu.memory_space<vmem>>
    %dma_start3A_1227 = tpu.memref_squeeze %dma_start3A_1226 : memref<1x32x8x128xf32, #tpu.memory_space<vmem>> -> memref<32x8x128xf32, #tpu.memory_space<vmem>>
    %dma_start3A_1228 = arith.constant 0 : i32
    %dma_start3A_1229 = arith.constant 0 : i32
    %dma_start3A_1230 = tpu.memref_slice %arg6[%add3A_1221, %dma_start3A_1228, %dma_start3A_1229] : memref<16384x8x128xf32, #tpu.memory_space<hbm>> -> memref<32x8x128xf32, #tpu.memory_space<hbm>>
    %dma_start3A_1231 = arith.constant 0 : i32
    %dma_start3A_1232 = arith.constant 0 : i32
    %dma_start3A_1233 = tpu.memref_slice %arg6[%add3A_1221, %dma_start3A_1231, %dma_start3A_1232] : memref<16384x8x128xf32, #tpu.memory_space<hbm>> -> memref<32x8x128xf32, #tpu.memory_space<hbm>>
    %dma_start3A_1234 = arith.constant 0 : i32
    %dma_start3A_1235 = arith.constant 0 : i32
    %dma_start3A_1236 = arith.constant 0 : i32
    %dma_start3A_1237 = tpu.memref_slice %arg26[%dma_start3A_1222, %dma_start3A_1234, %dma_start3A_1235, %dma_start3A_1236] : memref<3x32x8x128xf32, #tpu.memory_space<vmem>> -> memref<1x32x8x128xf32, #tpu.memory_space<vmem>>
    %dma_start3A_1238 = tpu.memref_squeeze %dma_start3A_1237 : memref<1x32x8x128xf32, #tpu.memory_space<vmem>> -> memref<32x8x128xf32, #tpu.memory_space<vmem>>
    tpu.enqueue_dma source(%dma_start3A_1238 : memref<32x8x128xf32, #tpu.memory_space<vmem>>) target(%dma_start3A_1233 : memref<32x8x128xf32, #tpu.memory_space<hbm>>) target_semaphore(%arg30 : memref<!tpu.dma_semaphore, #tpu.memory_space<semaphore_mem>>)
    %dma_wait3A_1239 = arith.constant 1 : i32
    %dma_wait3A_1240 = arith.constant 0 : i32
    %dma_wait3A_1241 = arith.constant 0 : i32
    %dma_wait3A_1242 = arith.constant 0 : i32
    %dma_wait3A_1243 = tpu.memref_slice %arg26[%dma_wait3A_1239, %dma_wait3A_1240, %dma_wait3A_1241, %dma_wait3A_1242] : memref<3x32x8x128xf32, #tpu.memory_space<vmem>> -> memref<1x32x8x128xf32, #tpu.memory_space<vmem>>
    %dma_wait3A_1244 = tpu.memref_squeeze %dma_wait3A_1243 : memref<1x32x8x128xf32, #tpu.memory_space<vmem>> -> memref<32x8x128xf32, #tpu.memory_space<vmem>>
    %dma_wait3A_1245 = arith.constant 0 : i32
    %dma_wait3A_1246 = arith.constant 0 : i32
    %dma_wait3A_1247 = tpu.memref_slice %arg6[%add3A_1163, %dma_wait3A_1245, %dma_wait3A_1246] : memref<16384x8x128xf32, #tpu.memory_space<hbm>> -> memref<32x8x128xf32, #tpu.memory_space<hbm>>
    %dma_wait3A_1248 = arith.constant 0 : i32
    %dma_wait3A_1249 = arith.constant 0 : i32
    %dma_wait3A_1250 = tpu.memref_slice %arg6[%add3A_1163, %dma_wait3A_1248, %dma_wait3A_1249] : memref<16384x8x128xf32, #tpu.memory_space<hbm>> -> memref<32x8x128xf32, #tpu.memory_space<hbm>>
    %dma_wait3A_1251 = arith.constant 0 : i32
    %dma_wait3A_1252 = arith.constant 0 : i32
    %dma_wait3A_1253 = arith.constant 0 : i32
    %dma_wait3A_1254 = tpu.memref_slice %arg26[%dma_wait3A_1239, %dma_wait3A_1251, %dma_wait3A_1252, %dma_wait3A_1253] : memref<3x32x8x128xf32, #tpu.memory_space<vmem>> -> memref<1x32x8x128xf32, #tpu.memory_space<vmem>>
    %dma_wait3A_1255 = tpu.memref_squeeze %dma_wait3A_1254 : memref<1x32x8x128xf32, #tpu.memory_space<vmem>> -> memref<32x8x128xf32, #tpu.memory_space<vmem>>
    tpu.wait_dma2 semaphore(%arg31 : memref<!tpu.dma_semaphore, #tpu.memory_space<semaphore_mem>>) src(%dma_wait3A_1255 : memref<32x8x128xf32, #tpu.memory_space<vmem>>) dst(%dma_wait3A_1250 : memref<32x8x128xf32, #tpu.memory_space<hbm>>)
    %dma_wait3A_1256 = arith.constant 2 : i32
    %dma_wait3A_1257 = arith.constant 0 : i32
    %dma_wait3A_1258 = arith.constant 0 : i32
    %dma_wait3A_1259 = arith.constant 0 : i32
    %dma_wait3A_1260 = tpu.memref_slice %arg26[%dma_wait3A_1256, %dma_wait3A_1257, %dma_wait3A_1258, %dma_wait3A_1259] : memref<3x32x8x128xf32, #tpu.memory_space<vmem>> -> memref<1x32x8x128xf32, #tpu.memory_space<vmem>>
    %dma_wait3A_1261 = tpu.memref_squeeze %dma_wait3A_1260 : memref<1x32x8x128xf32, #tpu.memory_space<vmem>> -> memref<32x8x128xf32, #tpu.memory_space<vmem>>
    %dma_wait3A_1262 = arith.constant 0 : i32
    %dma_wait3A_1263 = arith.constant 0 : i32
    %dma_wait3A_1264 = tpu.memref_slice %arg6[%add3A_1192, %dma_wait3A_1262, %dma_wait3A_1263] : memref<16384x8x128xf32, #tpu.memory_space<hbm>> -> memref<32x8x128xf32, #tpu.memory_space<hbm>>
    %dma_wait3A_1265 = arith.constant 0 : i32
    %dma_wait3A_1266 = arith.constant 0 : i32
    %dma_wait3A_1267 = tpu.memref_slice %arg6[%add3A_1192, %dma_wait3A_1265, %dma_wait3A_1266] : memref<16384x8x128xf32, #tpu.memory_space<hbm>> -> memref<32x8x128xf32, #tpu.memory_space<hbm>>
    %dma_wait3A_1268 = arith.constant 0 : i32
    %dma_wait3A_1269 = arith.constant 0 : i32
    %dma_wait3A_1270 = arith.constant 0 : i32
    %dma_wait3A_1271 = tpu.memref_slice %arg26[%dma_wait3A_1256, %dma_wait3A_1268, %dma_wait3A_1269, %dma_wait3A_1270] : memref<3x32x8x128xf32, #tpu.memory_space<vmem>> -> memref<1x32x8x128xf32, #tpu.memory_space<vmem>>
    %dma_wait3A_1272 = tpu.memref_squeeze %dma_wait3A_1271 : memref<1x32x8x128xf32, #tpu.memory_space<vmem>> -> memref<32x8x128xf32, #tpu.memory_space<vmem>>
    tpu.wait_dma2 semaphore(%arg32 : memref<!tpu.dma_semaphore, #tpu.memory_space<semaphore_mem>>) src(%dma_wait3A_1272 : memref<32x8x128xf32, #tpu.memory_space<vmem>>) dst(%dma_wait3A_1267 : memref<32x8x128xf32, #tpu.memory_space<hbm>>)
    %dma_wait3A_1273 = arith.constant 0 : i32
    %dma_wait3A_1274 = arith.constant 0 : i32
    %dma_wait3A_1275 = arith.constant 0 : i32
    %dma_wait3A_1276 = arith.constant 0 : i32
    %dma_wait3A_1277 = tpu.memref_slice %arg26[%dma_wait3A_1273, %dma_wait3A_1274, %dma_wait3A_1275, %dma_wait3A_1276] : memref<3x32x8x128xf32, #tpu.memory_space<vmem>> -> memref<1x32x8x128xf32, #tpu.memory_space<vmem>>
    %dma_wait3A_1278 = tpu.memref_squeeze %dma_wait3A_1277 : memref<1x32x8x128xf32, #tpu.memory_space<vmem>> -> memref<32x8x128xf32, #tpu.memory_space<vmem>>
    %dma_wait3A_1279 = arith.constant 0 : i32
    %dma_wait3A_1280 = arith.constant 0 : i32
    %dma_wait3A_1281 = tpu.memref_slice %arg6[%add3A_1221, %dma_wait3A_1279, %dma_wait3A_1280] : memref<16384x8x128xf32, #tpu.memory_space<hbm>> -> memref<32x8x128xf32, #tpu.memory_space<hbm>>
    %dma_wait3A_1282 = arith.constant 0 : i32
    %dma_wait3A_1283 = arith.constant 0 : i32
    %dma_wait3A_1284 = tpu.memref_slice %arg6[%add3A_1221, %dma_wait3A_1282, %dma_wait3A_1283] : memref<16384x8x128xf32, #tpu.memory_space<hbm>> -> memref<32x8x128xf32, #tpu.memory_space<hbm>>
    %dma_wait3A_1285 = arith.constant 0 : i32
    %dma_wait3A_1286 = arith.constant 0 : i32
    %dma_wait3A_1287 = arith.constant 0 : i32
    %dma_wait3A_1288 = tpu.memref_slice %arg26[%dma_wait3A_1273, %dma_wait3A_1285, %dma_wait3A_1286, %dma_wait3A_1287] : memref<3x32x8x128xf32, #tpu.memory_space<vmem>> -> memref<1x32x8x128xf32, #tpu.memory_space<vmem>>
    %dma_wait3A_1289 = tpu.memref_squeeze %dma_wait3A_1288 : memref<1x32x8x128xf32, #tpu.memory_space<vmem>> -> memref<32x8x128xf32, #tpu.memory_space<vmem>>
    tpu.wait_dma2 semaphore(%arg30 : memref<!tpu.dma_semaphore, #tpu.memory_space<semaphore_mem>>) src(%dma_wait3A_1289 : memref<32x8x128xf32, #tpu.memory_space<vmem>>) dst(%dma_wait3A_1284 : memref<32x8x128xf32, #tpu.memory_space<hbm>>)
    return
  }
}

</mosaic_0001>

<sc_bundles>
// kernel: kernel.3.cloned.1.call-start
scs
__scs_entry_jumppad:
0x0: {  	(pc) =	sbr.rel $0x88, $3  }
0x1: {  	(tag) =	ssettag $0x0;
	lr =	simm.s32 $0x1  }
0x2: {  	[smem:$0x3F9D] =	sst lr;
	_ =	strace $0xD0000000  }
0x3: {  	_ = 	snop  }
0x4: {  	_ = 	snop  }
0x5: {  	_ = 	snop  }
0x6: {  	_ = 	snop  }
0x7: {  	_ = 	snop  }
__scs_overlays_trampoline_lowered:
0x8: {  	[smem:$0x3FAC] =	sst s0  }
0x9: {  	[smem:$0x3FAD] =	sst s1  }
0xa: {  	[smem:$0x3FAE] =	sst s2  }
0xb: {  	[smem:$0x3FAF] =	sst s3  }
0xc: {  	[smem:$0x3FB0] =	sst s4  }
0xd: {  	[smem:$0x3FB1] =	sst s5  }
0xe: {  	[smem:$0x3FB2] =	sst s6  }
0xf: {  	[smem:$0x3FB3] =	sst s7  }
0x10: {  	[smem:$0x3FB4] =	sst s8  }
0x11: {  	[smem:$0x3FB5] =	sst s9;
	s0 =	simm.s32 @!p0 $0x0  }
0x12: {  	s1 =	sld [smem:$0x3F9B];
	s0 =	simm.s32 @p0 $0x1  }
0x13: {  	[smem:$0x3FB6] =	sst s0;
	s0 =	simm.s32 @!p1 $0x0  }
0x14: {  	s2 =	sld [smem:$0x3F9A];
	s0 =	simm.s32 @p1 $0x1  }
0x15: {  	[smem:$0x3FB7] =	sst s0;
	s0 =	simm.s32 @!p2 $0x0  }
0x16: {  	s3 =	sld [smem:$0x3FDB];
	s0 =	simm.s32 @p2 $0x1  }
0x17: {  	s4 =	simm.s32 $0x1BF5;
	[smem:$0x3FB9] =	sst s0  }
0x18: {  	s0 =	sld [smem:$0x3F9C];
	_ =	swait.ge [sflag:s4], $0x0  }
0x19: {  	s7 =	sld [smem:$0x3F9D]  }
0x1a: {  	s8 =	sadd.s32 $0xFFFFE003, lr  }
0x1b: {  	s9 =	sadd.s32 $0xFFFFFEF7, lr;
	s5 =	simm.s32 $0xFFFFFFFF;
	p2 =	slt.u32 s8, $0xFFFFF086  }
0x1c: {  	p1 =	slt.u32 s9, $0xF7A;
	s5 =	simm.s32 @!p2 $0x0  }
0x1d: {  	s5 =	simm.s32 @p1 $0x1;
	p0 =	seq.s32 s7, s2  }
0x1e: {  	s7 =	smul.u32 @!p0 $0xF7A, s2;
	p2 =	seq.s32 @!p0 s5, $0x0  }
0x1f: {  	s9 =	smul.u32 $0xF7A, s1;
	s8 =	simm.s32 @!p0 $0x1BF5;
	p2 =	por !p2, p0  }
0x20: {  	[sflag:s8] =	ssyncset.s32 @!p0 $0xFFFFF086;
	s6 =	sadd.s32 @!p0 s3, s7;
	s7 =	simm.s32 @!p0 $0x108  }
0x21: {  	s3 =	sadd.s32 s3, s9;
	s6 =	sadd.s32 @!p0 $0x88, s6;
	s7 =	simm.s32 @p2 $0x1082  }
0x22: {  	[simem:s7], [sflag:s8] =	dma.local @!p0 [hbm:s6], $0xF7A  }
0x23: {  	s9 =	sor.u32 $0xD0000000, s2;
	s6 =	simm.s32 $0x108;
	_ =	swait.ge @!p0 [sflag:s8], $0x0  }
0x24: {  	s3 =	sadd.s32 $0x88, s3;
	s6 =	simm.s32 @!p1 $0x1082;
	[sflag:s4] =	ssyncset.s32 $0xFFFFF086  }
0x25: {  	[simem:s6], [sflag:s4] =	dma.local [hbm:s3], $0xF7A  }
0x26: {  	[smem:$0x3F9D] =	sst s1;
	(tag) =	ssettag s2;
	_ =	strace s9  }
0x27: {  	s1 =	sld [smem:$0x3FAD]  }
0x28: {  	s2 =	sld [smem:$0x3FAE]  }
0x29: {  	s4 =	sld [smem:$0x3FB0]  }
0x2a: {  	p0 =	seq.s32 s5, $0x0;
	s5 =	sld [smem:$0x3FB1]  }
0x2b: {  	s6 =	sld [smem:$0x3FB2]  }
0x2c: {  	s7 =	sld [smem:$0x3FB3]  }
0x2d: {  	s3 =	simm.s32 $0x108;
	s8 =	sld [smem:$0x3FB4]  }
0x2e: {  	s3 =	simm.s32 @!p0 $0x1082;
	s9 =	sld [smem:$0x3FB5]  }
0x2f: {  	lr =	sadd.s32 s0, s3;
	s0 =	sld [smem:$0x3FAC]  }
0x30: {  	s3 =	sld [smem:$0x3FAF]  }
0x31: {  	[smem:$0x3FB8] =	sst s10  }
0x32: {  	s10 =	sld [smem:$0x3FB6];
	_ =	sdelay $0x3  }
0x33: {  	p0 =	seq.s32 s10, $0x1;
	s10 =	sld [smem:$0x3FB8];
	_ =	sdelay $0x3  }
0x34: {  	[smem:$0x3FB8] =	sst s10  }
0x35: {  	s10 =	sld [smem:$0x3FB7];
	_ =	sdelay $0x3  }
0x36: {  	p1 =	seq.s32 s10, $0x1;
	s10 =	sld [smem:$0x3FB8];
	_ =	sdelay $0x3  }
0x37: {  	[smem:$0x3FB8] =	sst s10  }
0x38: {  	s10 =	sld [smem:$0x3FB9]  }
0x39: {  	_ = 	snop;
	(pc) =	sbr.ind lr, $3  }
0x3a: {  	_ = 	snop  }
0x3b: {  	_ = 	snop  }
0x3c: {  	p2 =	seq.s32 s10, $0x1;
	s10 =	sld [smem:$0x3FB8]  }
0x3d: {  	_ =	shalt  }
0x3e: {  	_ =	shalt  }
0x3f: {  	_ =	shalt  }
0x40: {  	_ =	shalt  }
0x41: {  	_ =	shalt  }
0x42: {  	_ =	shalt  }
0x43: {  	_ =	shalt  }
0x44: {  	_ =	shalt  }
0x45: {  	_ =	shalt  }
0x46: {  	_ =	shalt  }
0x47: {  	_ =	shalt  }
0x48: {  	_ =	shalt  }
0x49: {  	_ =	shalt  }
0x4a: {  	_ =	shalt  }
0x4b: {  	_ =	shalt  }
0x4c: {  	_ =	shalt  }
0x4d: {  	_ =	shalt  }
0x4e: {  	_ =	shalt  }
0x4f: {  	_ =	shalt  }
0x50: {  	_ =	shalt  }
0x51: {  	_ =	shalt  }
0x52: {  	_ =	shalt  }
0x53: {  	_ =	shalt  }
0x54: {  	_ =	shalt  }
0x55: {  	_ =	shalt  }
0x56: {  	_ =	shalt  }
0x57: {  	_ =	shalt  }
0x58: {  	_ =	shalt  }
0x59: {  	_ =	shalt  }
0x5a: {  	_ =	shalt  }
0x5b: {  	_ =	shalt  }
0x5c: {  	_ =	shalt  }
0x5d: {  	_ =	shalt  }
0x5e: {  	_ =	shalt  }
0x5f: {  	_ =	shalt  }
0x60: {  	_ =	shalt  }
0x61: {  	_ =	shalt  }
0x62: {  	_ =	shalt  }
0x63: {  	_ =	shalt  }
0x64: {  	_ =	shalt  }
0x65: {  	_ =	shalt  }
0x66: {  	_ =	shalt  }
0x67: {  	_ =	shalt  }
0x68: {  	_ =	shalt  }
0x69: {  	_ =	shalt  }
0x6a: {  	_ =	shalt  }
0x6b: {  	_ =	shalt  }
0x6c: {  	_ =	shalt  }
0x6d: {  	_ =	shalt  }
0x6e: {  	_ =	shalt  }
0x6f: {  	_ =	shalt  }
0x70: {  	_ =	shalt  }
0x71: {  	_ =	shalt  }
0x72: {  	_ =	shalt  }
0x73: {  	_ =	shalt  }
0x74: {  	_ =	shalt  }
0x75: {  	_ =	shalt  }
0x76: {  	_ =	shalt  }
0x77: {  	_ =	shalt  }
0x78: {  	_ =	shalt  }
0x79: {  	_ =	shalt  }
0x7a: {  	_ =	shalt  }
0x7b: {  	_ =	shalt  }
0x7c: {  	_ =	shalt  }
0x7d: {  	_ =	shalt  }
0x7e: {  	_ =	shalt  }
0x7f: {  	_ =	shalt  }
0x80: {  	_ =	shalt  }
0x81: {  	_ =	shalt  }
0x82: {  	_ =	shalt  }
0x83: {  	_ =	shalt  }
0x84: {  	_ =	shalt  }
0x85: {  	_ =	shalt  }
0x86: {  	_ =	shalt  }
0x87: {  	_ =	shalt  }
.Lfunc_end0:
.L_simem_size_0:
called_computation_lowered:
.L_overlay_start_0:
0x88: {  	s2 =	sld [smem:$0x3FD9]  }
0x89: {  	s3 =	sld [smem:$0x3FFE];
	_ =	sdelay $0x1  }
0x8a: {  	s1 =	srdreg.scid  }
0x8b: {  	s0 =	sand.u32 $0x1, s1  }
0x8c: {  	s17 =	sshll.u32 s0, $0xA;
	s2 =	sadd.s32 s3, s2  }
0x8d: {  	s2 =	sadd.s32 s2, s17  }
0x8e: {  	[smem:$0x3FC4] =	sst s2  }
0x8f: {  	_ = 	snop  }
0x90: {  	s2 =	sld [smem:$0x3FC9]  }
0x91: {  	s18 =	sld [smem:$0x3FC8]  }
0x92: {  	s4 =	sld [smem:$0x3FC7]  }
0x93: {  	s5 =	sld [smem:$0x3FD0];
	(tm) =	ssettm $0x1  }
0x94: {  	s6 =	sld [smem:$0x3FFB];
	_ =	sdelay $0x3  }
0x95: {  	_ =	strace s6  }
0x96: {  	s6 =	sld [smem:$0x3FFC];
	_ =	sdelay $0x3  }
0x97: {  	_ =	strace s6  }
0x98: {  	s6 =	sld [smem:$0x3FFD];
	_ =	sdelay $0x3  }
0x99: {  	_ =	strace s6  }
0x9a: {  	_ =	strace $0x8FFFFFFF  }
0x9b: {  	s19 =	sld [smem:$0x3FDB];
	_ =	sdelay $0x1  }
0x9c: {  	s7 =	simm.s32 $_scs_section_size  }
0x9d: {  	s8 =	simm.s32 $_size__tile_overlayer_lowered;
	s9 =	simm.s32 $_tile_overlayer_lowered  }
0x9e: {  	s22 =	simm.s32 $0x1BFF;
	s21 =	sshll.u32 s9, $0x1;
	s6 =	sadd.s32 s7, s19  }
0x9f: {  	s10 =	simm.s32 $0x0;
	s20 =	sshll.u32 s8, $0x1;
	s8 =	sadd.s32 s21, s6  }
0xa0: {  	[timem:s10], [sflag:s22] =	dma.local [hbm:s8], s20  }
0xa1: {  	_ =	swait.ge [sflag:s22], s20  }
0xa2: {  	s7 =	ssub.s32 $0x0, s20;
	[sflag:s22] =	ssyncset.done $0x0  }
0xa3: {  	[sflag:s22] =	ssyncadd.s32 s7;
	_ =	sdelay $0x1  }
0xa4: {  	s23 =	simm.s32 $0x1B8B  }
0xa5: {  	_ =	swait.ge [sflag:s23], $0x1  }
0xa6: {  	[sflag:s23] =	ssyncset.done $0x0  }
0xa7: {  	s25 =	simm.s32 $0x1B8E;
	s24 =	sld [smem:$0x3FFE];
	[sflag:s23] =	ssyncadd.s32 $0xFFFFFFFF  }
0xa8: {  	s26 =	simm.s32 $execute0_lowered;
	[smem:$0x3FD2] =	sst s25  }
0xa9: {  	s8 =	sshll.u32 s26, $0x1;
	_ =	strace $0x80000046;
	[dreg:$0x1] =	wrdreg $0xFFFFFFFF  }
0xaa: {  	s28 =	simm.s32 $_size_execute0_lowered;
	s6 =	sadd.s32 s6, s8;
	[dreg:$0x0] =	wrdreg $0x0  }
0xab: {  	s8 =	sshll.u32 s28, $0x1;
	[dreg:$0x2] =	wrdreg s6  }
0xac: {  	[dreg:$0x3] =	wrdreg s8  }
0xad: {  	[dreg:$0x4] =	wrdreg $0xC0  }
0xae: {  	_ =	task [dreg:s10], $0x5FFFF  }
0xaf: {  	[dreg:$0x1] =	wrdreg $0xFFFFFFFF  }
0xb0: {  	[dreg:$0x0] =	wrdreg $0x60  }
0xb1: {  	[dreg:$0x2] =	wrdreg s2  }
0xb2: {  	[dreg:$0x3] =	wrdreg s18  }
0xb3: {  	[dreg:$0x4] =	wrdreg s4  }
0xb4: {  	[dreg:$0x5] =	wrdreg s24  }
0xb5: {  	[dreg:$0x6] =	wrdreg s5  }
0xb6: {  	[dreg:$0x7] =	wrdreg $0x9  }
0xb7: {  	_ =	task.clear_ibuf [dreg:s10], $0x8FFFF;
	_ =	strace $0x90000046  }
0xb8: {  	s29 =	simm.s32 $0x9;
	_ =	strace $0x80000048  }
0xb9: {  	_ =	swait.ge [sflag:s29], $0x1  }
0xba: {  	[sflag:s29] =	ssyncadd.s32 $0xFFFFFFFF  }
0xbb: {  	_ =	strace $0x90000048  }
0xbc: {  	_ =	sfence  }
0xbd: {  	s30 =	sld [smem:$0x0];
	_ =	sdelay $0x2  }
0xbe: {  	s31 =	sshll.u32 s1, $0xD;
	s1 =	sshrl.u32 s1, $0x2  }
0xbf: {  	s3 =	sand.u32 $0x4000, s31;
	s1 =	sadd.s32 s1, s30  }
0xc0: {  	s0 =	sor.u32 s3, s0;
	s1 =	sshll.u32 s1, $0x11  }
0xc1: {  	s0 =	sor.u32 s1, s0  }
0xc2: {  	s0 =	sadd.s32 $0x8F2B, s0  }
0xc3: {  	[sflag:s0] =	ssyncadd.remote.s32 $0x1  }
0xc4: {  	_ =	sfence.sel $0xFFFF  }
0xc5: {  	[dreg:$0x0] =	wrdreg $0xFFFFFFFF;
	(pc) =	sbr.abs _section_cstart, $3  }
0xc6: {  	[dreg:$0x1] =	wrdreg $0xFFFFFFFF  }
0xc7: {  	_ =	task.clear_ibuf [dreg:s10], $0x2FFFF;
	_ =	strace $0x9FFFFFFF  }
0xc8: {  	(tm) =	ssettm $0x7FFFFFFF  }
0xc9: {  	_ =	shalt  }
tec
execute0_lowered:
.L_overlay_start_1:
0x0: {  	(tag) =	ssettag $0x1  }
0x1: {  	s1 =	rddreg [dreg:$0x0]  }
0x2: {  	s0 =	rddreg [dreg:$0x1]  }
0x3: {  	s4 =	rddreg [dreg:$0x2]  }
0x4: {  	s5 =	rddreg [dreg:$0x3]  }
0x5: {  	s6 =	rddreg [dreg:$0x4];
	s3 =	srdreg.scid  }
0x6: {  	s2 =	stileid.u32;
	s25 =	simm.s32 $0x200;
	s7 =	sand.u32 $0x1, s3  }
0x7: {  	s3 =	simm.s32 $0x0;
	s8 =	sshll.u32 s2, $0xA;
	s9 =	sshll.u32 s7, $0x9  }
0x8: {  	s5 =	sadd.s32 $0x400, s5;
	[smem:$0x7FF] =	sst s3;
	s8 =	sor.u32 s9, s8  }
0x9: {  	_ =	strace $0x80000047;
	[dreg:$0x6] =	wrdreg s5;
	s9 =	sshrl.u32 s8, $0x3  }
0xa: {  	[dreg:$0x18] =	wrdreg s25;
	s0 =	sadd.s32 s0, s9  }
0xb: {  	s26 =	sshll.u32 s8, $0x7;
	s2 =	sadd.s32 s4, s9;
	[dreg:$0x7] =	wrdreg s0  }
0xc: {  	s4 =	sadd.s32 s6, s26;
	s26 =	simm.s32 $0xC00;
	[dreg:$0x8] =	wrdreg s2  }
0xd: {  	s8 =	sadd.s32 $0x1000, s4;
	[dreg:$0x19] =	wrdreg s26  }
0xe: {  	s9 =	sadd.s32 $0x2000, s4;
	[dreg:$0x9] =	wrdreg s8  }
0xf: {  	s28 =	simm.s32 $0x980;
	s10 =	sadd.s32 $0x3000, s4;
	[dreg:$0xa] =	wrdreg s9  }
0x10: {  	s29 =	simm.s32 $0xA00;
	s11 =	sadd.s32 $0x4000, s4;
	[dreg:$0xb] =	wrdreg s10  }
0x11: {  	s30 =	simm.s32 $0xA80;
	s12 =	sadd.s32 $0x5000, s4;
	[dreg:$0xc] =	wrdreg s11  }
0x12: {  	s31 =	simm.s32 $0xB00;
	s13 =	sadd.s32 $0x6000, s4;
	[dreg:$0xd] =	wrdreg s12  }
0x13: {  	s21 =	ssub.s32 $0x2, s7;
	s14 =	sadd.s32 $0x7000, s4;
	[dreg:$0xe] =	wrdreg s13  }
0x14: {  	s7 =	simm.s32 $0x2;
	s15 =	sadd.s32 $0x8000, s4;
	[dreg:$0xf] =	wrdreg s14  }
0x15: {  	s23 =	sshrl.u32 s21, $0x1;
	s16 =	sadd.s32 $0x9000, s4;
	[dreg:$0x10] =	wrdreg s15  }
0x16: {  	s25 =	simm.s32 $0x880;
	s17 =	sadd.s32 $0xA000, s4;
	[dreg:$0x11] =	wrdreg s16  }
0x17: {  	s5 =	ssub.s32 s21, s23;
	s18 =	sadd.s32 $0xB000, s4;
	[dreg:$0x12] =	wrdreg s17  }
0x18: {  	s21 =	simm.s32 $0x680;
	s19 =	sadd.s32 $0xC000, s4;
	[dreg:$0x13] =	wrdreg s18  }
0x19: {  	s23 =	simm.s32 $0x780;
	s20 =	sadd.s32 $0xD000, s4;
	[dreg:$0x14] =	wrdreg s19  }
0x1a: {  	s5 =	smax.u32 s5, $0x1;
	s22 =	sadd.s32 $0xE000, s4;
	[dreg:$0x15] =	wrdreg s20  }
0x1b: {  	s6 =	simm.s32 $0x1;
	s24 =	sadd.s32 $0xF000, s4;
	[dreg:$0x16] =	wrdreg s22  }
0x1c: {  	s26 =	simm.s32 $0x900;
	s0 =	simm.s32 $0xB80;
	[dreg:$0x17] =	wrdreg s24  }
0x1d: {  	s8 =	simm.s32 $0x3;
	s9 =	simm.s32 $0x20;
	s11 =	simm.s32 $0xC80  }
0x1e: {  	s13 =	simm.s32 $0x8C80;
	s15 =	simm.s32 $0x10C80;
	s16 =	simm.s32 $0x4  }
0x1f: {  	s17 =	simm.s32 $0x580;
	s18 =	simm.s32 $0x5;
	s19 =	simm.s32 $0x600  }
0x20: {  	s20 =	simm.s32 $0x6;
	s22 =	simm.s32 $0x700;
	s24 =	simm.s32 $0x800  }
.LBB2_1:
0x21: {  	s2 =	rddreg [dreg:$0x7]  }
0x22: {  	s10 =	rddreg [dreg:$0x18]  }
0x23: {  	s12 =	rddreg [dreg:$0x6]  }
0x24: {  	[tilespmem:s3], [sflag:$0x1] =	stream.linear.gather [hbm4b:s2+s3], $0x200, $0x38;
	[tilespmem:$0x18C80] =	vst v63  }
0x25: {  	s2 =	rddreg [dreg:$0x8]  }
0x26: {  	[tilespmem:s10], [sflag:$0x2] =	stream.linear.gather [hbm4b:s2+s3], $0x200, $0x38;
	[tilespmem:$0x18C80] =	vst v63  }
0x27: {  	s14 =	rddreg [dreg:$0x19]  }
0x28: {  	[tilespmem:s14], [sflag:$0x3] =	stream.linear.gather [hbm4b:s12+s3], $0x80, $0x38;
	[tilespmem:$0x18C80] =	vst v63  }
0x29: {  	_ =	swait.ge [sflag:s6], $0x200  }
0x2a: {  	[sflag:s6] =	ssyncset.done $0x0  }
0x2b: {  	[sflag:s6] =	ssyncadd.s32 $0xFFFFFE00  }
0x2c: {  	_ =	swait.ge [sflag:s7], $0x200  }
0x2d: {  	[sflag:s7] =	ssyncset.done $0x0  }
0x2e: {  	[sflag:s7] =	ssyncadd.s32 $0xFFFFFE00  }
0x2f: {  	_ =	swait.ge [sflag:s8], $0x80  }
0x30: {  	[sflag:s8] =	ssyncset.done $0x0  }
0x31: {  	[sflag:s8] =	ssyncadd.s32 $0xFFFFFF80  }
0x32: {  	v0 =	vld [tilespmem:$0xC00]  }
0x33: {  	v1 =	vld [tilespmem:$0x0]  }
0x34: {  	v2 =	vld [tilespmem:$0x200]  }
0x35: {  	v3 =	vld [tilespmem:$0x10]  }
0x36: {  	v4 =	vld [tilespmem:$0x210]  }
0x37: {  	v5 =	vld [tilespmem:$0x20]  }
0x38: {  	v6 =	vld [tilespmem:$0x220]  }
0x39: {  	v7 =	vld [tilespmem:$0x30]  }
0x3a: {  	v8 =	vld [tilespmem:$0x230]  }
0x3b: {  	v9 =	vld [tilespmem:$0x40]  }
0x3c: {  	v10 =	vld [tilespmem:$0x240]  }
0x3d: {  	v11 =	vld [tilespmem:$0x50]  }
0x3e: {  	v12 =	vld [tilespmem:$0x250]  }
0x3f: {  	v13 =	vld [tilespmem:$0x60]  }
0x40: {  	v14 =	vld [tilespmem:$0x260]  }
0x41: {  	v15 =	vld [tilespmem:$0x70]  }
0x42: {  	v16 =	vld [tilespmem:$0x270]  }
0x43: {  	v17 =	vld [tilespmem:$0x80]  }
0x44: {  	v18 =	vld [tilespmem:$0x280]  }
0x45: {  	v19 =	vld [tilespmem:$0x90]  }
0x46: {  	v20 =	vld [tilespmem:$0x290]  }
0x47: {  	v21 =	vld [tilespmem:$0xA0]  }
0x48: {  	v22 =	vld [tilespmem:$0x2A0]  }
0x49: {  	v23 =	vld [tilespmem:$0xB0]  }
0x4a: {  	v24 =	vld [tilespmem:$0x2B0]  }
0x4b: {  	v25 =	vld [tilespmem:$0xC0]  }
0x4c: {  	v26 =	vld [tilespmem:$0x2C0]  }
0x4d: {  	v27 =	vld [tilespmem:$0xD0]  }
0x4e: {  	v28 =	vld [tilespmem:$0x2D0]  }
0x4f: {  	v29 =	vld [tilespmem:$0xE0]  }
0x50: {  	v30 =	vld [tilespmem:$0x2E0]  }
0x51: {  	v31 =	vld [tilespmem:$0xF0]  }
0x52: {  	v32 =	vld [tilespmem:$0x2F0]  }
0x53: {  	v33 =	vld [tilespmem:$0x100]  }
0x54: {  	v34 =	vld [tilespmem:$0x300]  }
0x55: {  	v35 =	vld [tilespmem:$0x110]  }
0x56: {  	v36 =	vld [tilespmem:$0x310];
	v1 =	vmul.u32 v0, v1  }
0x57: {  	v37 =	vld [tilespmem:$0x120];
	v3 =	vmul.u32 v0, v3  }
0x58: {  	v40 =	vld [tilespmem:$0x160];
	v55 =	vmul.u32 v0, v5;
	v1 =	vadd.s32 v2, v1  }
0x59: {  	v43 =	vld [tilespmem:$0x360];
	v57 =	vmul.u32 v0, v7;
	v56 =	vadd.s32 v4, v3;
	[tilespmem:$0x400] =	vst v1  }
0x5a: {  	v46 =	vld [tilespmem:$0x170];
	v59 =	vmul.u32 v0, v9;
	v58 =	vadd.s32 v6, v55;
	[tilespmem:$0x410] =	vst v56  }
0x5b: {  	v49 =	vld [tilespmem:$0x370];
	v61 =	vmul.u32 v0, v11;
	v60 =	vadd.s32 v8, v57;
	[tilespmem:$0x480] =	vst v58  }
0x5c: {  	v52 =	vld [tilespmem:$0x180];
	v63 =	vmul.u32 v0, v13;
	v62 =	vadd.s32 v10, v59;
	[tilespmem:$0x490] =	vst v60  }
0x5d: {  	v5 =	vld [tilespmem:$0x320];
	v13 =	vmul.u32 v0, v15;
	v12 =	vadd.s32 v12, v61;
	[tilespmem:$0x500] =	vst v62  }
0x5e: {  	v7 =	vld [tilespmem:$0x140];
	v17 =	vmul.u32 v0, v17;
	v15 =	vadd.s32 v14, v63;
	[tilespmem:$0x510] =	vst v12  }
0x5f: {  	v9 =	vld [tilespmem:$0x150];
	v39 =	vmul.u32 v0, v19;
	v38 =	vadd.s32 v16, v13;
	[tilespmem:$0x580] =	vst v15  }
0x60: {  	v42 =	vmul.u32 v0, v21;
	v51 =	vmul.u32 v0, v27;
	v27 =	vld [tilespmem:$0x3A0];
	v41 =	vadd.s32 v18, v17;
	[tilespmem:$0x590] =	vst v38  }
0x61: {  	v45 =	vmul.u32 v0, v23;
	v4 =	vld [tilespmem:$0x130];
	v44 =	vadd.s32 v20, v39;
	[tilespmem:$0x600] =	vst v41  }
0x62: {  	v48 =	vmul.u32 v0, v25;
	v6 =	vld [tilespmem:$0x330];
	v47 =	vadd.s32 v22, v42;
	[tilespmem:$0x610] =	vst v44  }
0x63: {  	v54 =	vmul.u32 v0, v29;
	v8 =	vld [tilespmem:$0x340];
	v50 =	vadd.s32 v24, v45;
	[tilespmem:$0x680] =	vst v47  }
0x64: {  	v10 =	vld [tilespmem:$0x350];
	v53 =	vadd.s32 v26, v48;
	[tilespmem:$0x690] =	vst v50  }
0x65: {  	v55 =	vld [tilespmem:$0x380];
	v57 =	vmul.u32 v0, v31;
	v59 =	vadd.s32 v30, v54;
	[tilespmem:$0x700] =	vst v53  }
0x66: {  	v61 =	vld [tilespmem:$0x390];
	v63 =	vmul.u32 v0, v35;
	v56 =	vadd.s32 v28, v51;
	[tilespmem:$0x780] =	vst v59  }
0x67: {  	v24 =	vld [tilespmem:$0x1A0];
	v60 =	vmul.u32 v0, v33;
	[tilespmem:$0x710] =	vst v56;
	v62 =	vadd.s32 v32, v57  }
0x68: {  	v26 =	vmul.u32 v0, v37;
	v30 =	vld [tilespmem:$0x1B0];
	v28 =	vadd.s32 v36, v63;
	[tilespmem:$0x790] =	vst v62  }
0x69: {  	v39 =	vld [tilespmem:$0x3C0];
	v38 =	vmul.u32 v0, v40;
	v25 =	vadd.s32 v34, v60;
	[tilespmem:$0x810] =	vst v28  }
0x6a: {  	v42 =	vld [tilespmem:$0x1D0];
	v41 =	vmul.u32 v0, v46;
	v31 =	vadd.s32 v5, v26;
	[tilespmem:$0x800] =	vst v25  }
0x6b: {  	v45 =	vld [tilespmem:$0x3D0];
	v32 =	vmul.u32 v0, v7;
	v43 =	vadd.s32 v43, v38;
	[tilespmem:$0x880] =	vst v31  }
0x6c: {  	v58 =	vld [tilespmem:$0x190];
	v35 =	vmul.u32 v0, v9;
	v46 =	vadd.s32 v49, v41;
	[tilespmem:$0x980] =	vst v43  }
0x6d: {  	v33 =	vld [tilespmem:$0x3B0];
	v44 =	vmul.u32 v0, v52;
	[tilespmem:$0x990] =	vst v46;
	v37 =	vadd.s32 v8, v32  }
0x6e: {  	v36 =	vld [tilespmem:$0x1C0];
	v29 =	vmul.u32 v0, v4;
	v40 =	vadd.s32 v10, v35;
	[tilespmem:$0x900] =	vst v37  }
0x6f: {  	v48 =	vld [tilespmem:$0x1E0];
	v49 =	vadd.s32 v55, v44;
	v50 =	vmul.u32 v0, v24;
	[tilespmem:$0x910] =	vst v40  }
0x70: {  	v51 =	vld [tilespmem:$0x1F0];
	v53 =	vmul.u32 v0, v30;
	[tilespmem:$0xA00] =	vst v49;
	v34 =	vadd.s32 v6, v29  }
0x71: {  	v54 =	vld [tilespmem:$0x3E0];
	v59 =	vmul.u32 v0, v42;
	v55 =	vadd.s32 v27, v50;
	[tilespmem:$0x890] =	vst v34  }
0x72: {  	v57 =	vld [tilespmem:$0x3F0];
	v47 =	vmul.u32 v0, v58;
	v58 =	vadd.s32 v33, v53;
	[tilespmem:$0xA80] =	vst v55  }
0x73: {  	v56 =	vmul.u32 v0, v36;
	v62 =	vadd.s32 v45, v59;
	[tilespmem:$0xA90] =	vst v58  }
0x74: {  	v52 =	vadd.s32 v61, v47;
	v61 =	vmul.u32 v0, v48;
	[tilespmem:$0xB10] =	vst v62  }
0x75: {  	v0 =	vmul.u32 v0, v51;
	[tilespmem:$0xA10] =	vst v52;
	v60 =	vadd.s32 v39, v56  }
0x76: {  	[tilespmem:$0xB00] =	vst v60;
	v63 =	vadd.s32 v54, v61  }
0x77: {  	v0 =	vadd.s32 v57, v0;
	[tilespmem:$0xB80] =	vst v63  }
0x78: {  	s10 =	simm.s32 $0x400;
	[tilespmem:$0xB90] =	vst v0  }
0x79: {  	[tilespmem:s11], [sflag:$0x1] =	stream.indirect.gather [hbm4b:s1+s9], $0x400, s10, s9, $0xb8;
	[tilespmem:$0x18C80] =	vst v63  }
0x7a: {  	s12 =	simm.s32 $0x480  }
0x7b: {  	[tilespmem:s13], [sflag:$0x2] =	stream.indirect.gather [hbm4b:s1+s9], $0x400, s12, s9, $0xb8;
	[tilespmem:$0x18C80] =	vst v63  }
0x7c: {  	s14 =	simm.s32 $0x500  }
0x7d: {  	[tilespmem:s15], [sflag:$0x3] =	stream.indirect.gather [hbm4b:s1+s9], $0x400, s14, s9, $0xb8;
	[tilespmem:$0x18C80] =	vst v63  }
0x7e: {  	_ =	swait.ge [sflag:s6], $0x8000  }
0x7f: {  	[sflag:s6] =	ssyncset.done $0x0  }
0x80: {  	[sflag:s6] =	ssyncadd.s32 $0xFFFF8000  }
0x81: {  	[hbm4b:s4+s3] =	stream.linear.scatter [tilespmem:s11], [sflag:$0x4], $0x8000, $0x38;
	[tilespmem:$0x18C80] =	vst v63  }
0x82: {  	_ =	swait.ge [sflag:s16], $0x8000  }
0x83: {  	[sflag:s16] =	ssyncset.done $0x0  }
0x84: {  	[sflag:s16] =	ssyncadd.s32 $0xFFFF8000  }
0x85: {  	[tilespmem:s11], [sflag:$0x1] =	stream.indirect.gather [hbm4b:s1+s9], $0x400, s17, s9, $0xb8;
	[tilespmem:$0x18C80] =	vst v63  }
0x86: {  	_ =	swait.ge [sflag:s7], $0x8000  }
0x87: {  	[sflag:s7] =	ssyncset.done $0x0  }
0x88: {  	s10 =	rddreg [dreg:$0x9];
	[sflag:s7] =	ssyncadd.s32 $0xFFFF8000  }
0x89: {  	[hbm4b:s10+s3] =	stream.linear.scatter [tilespmem:s13], [sflag:$0x5], $0x8000, $0x38;
	[tilespmem:$0x18C80] =	vst v63  }
0x8a: {  	_ =	swait.ge [sflag:s18], $0x8000  }
0x8b: {  	[sflag:s18] =	ssyncset.done $0x0  }
0x8c: {  	[sflag:s18] =	ssyncadd.s32 $0xFFFF8000  }
0x8d: {  	[tilespmem:s13], [sflag:$0x2] =	stream.indirect.gather [hbm4b:s1+s9], $0x400, s19, s9, $0xb8;
	[tilespmem:$0x18C80] =	vst v63  }
0x8e: {  	_ =	swait.ge [sflag:s8], $0x8000  }
0x8f: {  	[sflag:s8] =	ssyncset.done $0x0  }
0x90: {  	s12 =	rddreg [dreg:$0xa];
	[sflag:s8] =	ssyncadd.s32 $0xFFFF8000  }
0x91: {  	[hbm4b:s12+s3] =	stream.linear.scatter [tilespmem:s15], [sflag:$0x6], $0x8000, $0x38;
	[tilespmem:$0x18C80] =	vst v63  }
0x92: {  	_ =	swait.ge [sflag:s20], $0x8000  }
0x93: {  	[sflag:s20] =	ssyncset.done $0x0  }
0x94: {  	[sflag:s20] =	ssyncadd.s32 $0xFFFF8000  }
0x95: {  	[tilespmem:s15], [sflag:$0x3] =	stream.indirect.gather [hbm4b:s1+s9], $0x400, s21, s9, $0xb8;
	[tilespmem:$0x18C80] =	vst v63  }
0x96: {  	_ =	swait.ge [sflag:s6], $0x8000  }
0x97: {  	[sflag:s6] =	ssyncset.done $0x0  }
0x98: {  	s14 =	rddreg [dreg:$0xb];
	[sflag:s6] =	ssyncadd.s32 $0xFFFF8000  }
0x99: {  	[hbm4b:s14+s3] =	stream.linear.scatter [tilespmem:s11], [sflag:$0x4], $0x8000, $0x38;
	[tilespmem:$0x18C80] =	vst v63  }
0x9a: {  	_ =	swait.ge [sflag:s16], $0x8000  }
0x9b: {  	[sflag:s16] =	ssyncset.done $0x0  }
0x9c: {  	[sflag:s16] =	ssyncadd.s32 $0xFFFF8000  }
0x9d: {  	[tilespmem:s11], [sflag:$0x1] =	stream.indirect.gather [hbm4b:s1+s9], $0x400, s22, s9, $0xb8;
	[tilespmem:$0x18C80] =	vst v63  }
0x9e: {  	_ =	swait.ge [sflag:s7], $0x8000  }
0x9f: {  	[sflag:s7] =	ssyncset.done $0x0  }
0xa0: {  	s10 =	rddreg [dreg:$0xc];
	[sflag:s7] =	ssyncadd.s32 $0xFFFF8000  }
0xa1: {  	[hbm4b:s10+s3] =	stream.linear.scatter [tilespmem:s13], [sflag:$0x5], $0x8000, $0x38;
	[tilespmem:$0x18C80] =	vst v63  }
0xa2: {  	_ =	swait.ge [sflag:s18], $0x8000  }
0xa3: {  	[sflag:s18] =	ssyncset.done $0x0  }
0xa4: {  	[sflag:s18] =	ssyncadd.s32 $0xFFFF8000  }
0xa5: {  	[tilespmem:s13], [sflag:$0x2] =	stream.indirect.gather [hbm4b:s1+s9], $0x400, s23, s9, $0xb8;
	[tilespmem:$0x18C80] =	vst v63  }
0xa6: {  	_ =	swait.ge [sflag:s8], $0x8000  }
0xa7: {  	[sflag:s8] =	ssyncset.done $0x0  }
0xa8: {  	s12 =	rddreg [dreg:$0xd];
	[sflag:s8] =	ssyncadd.s32 $0xFFFF8000  }
0xa9: {  	[hbm4b:s12+s3] =	stream.linear.scatter [tilespmem:s15], [sflag:$0x6], $0x8000, $0x38;
	[tilespmem:$0x18C80] =	vst v63  }
0xaa: {  	_ =	swait.ge [sflag:s20], $0x8000  }
0xab: {  	[sflag:s20] =	ssyncset.done $0x0  }
0xac: {  	[sflag:s20] =	ssyncadd.s32 $0xFFFF8000  }
0xad: {  	[tilespmem:s15], [sflag:$0x3] =	stream.indirect.gather [hbm4b:s1+s9], $0x400, s24, s9, $0xb8;
	[tilespmem:$0x18C80] =	vst v63  }
0xae: {  	_ =	swait.ge [sflag:s6], $0x8000  }
0xaf: {  	[sflag:s6] =	ssyncset.done $0x0  }
0xb0: {  	s14 =	rddreg [dreg:$0xe];
	[sflag:s6] =	ssyncadd.s32 $0xFFFF8000  }
0xb1: {  	[hbm4b:s14+s3] =	stream.linear.scatter [tilespmem:s11], [sflag:$0x4], $0x8000, $0x38;
	[tilespmem:$0x18C80] =	vst v63  }
0xb2: {  	_ =	swait.ge [sflag:s16], $0x8000  }
0xb3: {  	[sflag:s16] =	ssyncset.done $0x0  }
0xb4: {  	[sflag:s16] =	ssyncadd.s32 $0xFFFF8000  }
0xb5: {  	[tilespmem:s11], [sflag:$0x1] =	stream.indirect.gather [hbm4b:s1+s9], $0x400, s25, s9, $0xb8;
	[tilespmem:$0x18C80] =	vst v63  }
0xb6: {  	_ =	swait.ge [sflag:s7], $0x8000  }
0xb7: {  	[sflag:s7] =	ssyncset.done $0x0  }
0xb8: {  	s10 =	rddreg [dreg:$0xf];
	[sflag:s7] =	ssyncadd.s32 $0xFFFF8000  }
0xb9: {  	[hbm4b:s10+s3] =	stream.linear.scatter [tilespmem:s13], [sflag:$0x5], $0x8000, $0x38;
	[tilespmem:$0x18C80] =	vst v63  }
0xba: {  	_ =	swait.ge [sflag:s18], $0x8000  }
0xbb: {  	[sflag:s18] =	ssyncset.done $0x0  }
0xbc: {  	[sflag:s18] =	ssyncadd.s32 $0xFFFF8000  }
0xbd: {  	[tilespmem:s13], [sflag:$0x2] =	stream.indirect.gather [hbm4b:s1+s9], $0x400, s26, s9, $0xb8;
	[tilespmem:$0x18C80] =	vst v63  }
0xbe: {  	_ =	swait.ge [sflag:s8], $0x8000  }
0xbf: {  	[sflag:s8] =	ssyncset.done $0x0  }
0xc0: {  	s12 =	rddreg [dreg:$0x10];
	[sflag:s8] =	ssyncadd.s32 $0xFFFF8000  }
0xc1: {  	[hbm4b:s12+s3] =	stream.linear.scatter [tilespmem:s15], [sflag:$0x6], $0x8000, $0x38;
	[tilespmem:$0x18C80] =	vst v63  }
0xc2: {  	_ =	swait.ge [sflag:s20], $0x8000  }
0xc3: {  	[sflag:s20] =	ssyncset.done $0x0  }
0xc4: {  	[sflag:s20] =	ssyncadd.s32 $0xFFFF8000  }
0xc5: {  	[tilespmem:s15], [sflag:$0x3] =	stream.indirect.gather [hbm4b:s1+s9], $0x400, s28, s9, $0xb8;
	[tilespmem:$0x18C80] =	vst v63  }
0xc6: {  	_ =	swait.ge [sflag:s6], $0x8000  }
0xc7: {  	[sflag:s6] =	ssyncset.done $0x0  }
0xc8: {  	s14 =	rddreg [dreg:$0x11];
	[sflag:s6] =	ssyncadd.s32 $0xFFFF8000  }
0xc9: {  	[hbm4b:s14+s3] =	stream.linear.scatter [tilespmem:s11], [sflag:$0x4], $0x8000, $0x38;
	[tilespmem:$0x18C80] =	vst v63  }
0xca: {  	_ =	swait.ge [sflag:s16], $0x8000  }
0xcb: {  	[sflag:s16] =	ssyncset.done $0x0  }
0xcc: {  	[sflag:s16] =	ssyncadd.s32 $0xFFFF8000  }
0xcd: {  	[tilespmem:s11], [sflag:$0x1] =	stream.indirect.gather [hbm4b:s1+s9], $0x400, s29, s9, $0xb8;
	[tilespmem:$0x18C80] =	vst v63  }
0xce: {  	_ =	swait.ge [sflag:s7], $0x8000  }
0xcf: {  	[sflag:s7] =	ssyncset.done $0x0  }
0xd0: {  	s10 =	rddreg [dreg:$0x12];
	[sflag:s7] =	ssyncadd.s32 $0xFFFF8000  }
0xd1: {  	[hbm4b:s10+s3] =	stream.linear.scatter [tilespmem:s13], [sflag:$0x5], $0x8000, $0x38;
	[tilespmem:$0x18C80] =	vst v63  }
0xd2: {  	_ =	swait.ge [sflag:s18], $0x8000  }
0xd3: {  	[sflag:s18] =	ssyncset.done $0x0  }
0xd4: {  	[sflag:s18] =	ssyncadd.s32 $0xFFFF8000  }
0xd5: {  	[tilespmem:s13], [sflag:$0x2] =	stream.indirect.gather [hbm4b:s1+s9], $0x400, s30, s9, $0xb8;
	[tilespmem:$0x18C80] =	vst v63  }
0xd6: {  	_ =	swait.ge [sflag:s8], $0x8000  }
0xd7: {  	[sflag:s8] =	ssyncset.done $0x0  }
0xd8: {  	s12 =	rddreg [dreg:$0x13];
	[sflag:s8] =	ssyncadd.s32 $0xFFFF8000  }
0xd9: {  	[hbm4b:s12+s3] =	stream.linear.scatter [tilespmem:s15], [sflag:$0x6], $0x8000, $0x38;
	[tilespmem:$0x18C80] =	vst v63  }
0xda: {  	_ =	swait.ge [sflag:s20], $0x8000  }
0xdb: {  	[sflag:s20] =	ssyncset.done $0x0  }
0xdc: {  	[sflag:s20] =	ssyncadd.s32 $0xFFFF8000  }
0xdd: {  	[tilespmem:s15], [sflag:$0x3] =	stream.indirect.gather [hbm4b:s1+s9], $0x400, s31, s9, $0xb8;
	[tilespmem:$0x18C80] =	vst v63  }
0xde: {  	_ =	swait.ge [sflag:s6], $0x8000  }
0xdf: {  	[sflag:s6] =	ssyncset.done $0x0  }
0xe0: {  	s14 =	rddreg [dreg:$0x14];
	[sflag:s6] =	ssyncadd.s32 $0xFFFF8000  }
0xe1: {  	[hbm4b:s14+s3] =	stream.linear.scatter [tilespmem:s11], [sflag:$0x4], $0x8000, $0x38;
	[tilespmem:$0x18C80] =	vst v63  }
0xe2: {  	_ =	swait.ge [sflag:s16], $0x8000  }
0xe3: {  	[sflag:s16] =	ssyncset.done $0x0  }
0xe4: {  	[sflag:s16] =	ssyncadd.s32 $0xFFFF8000  }
0xe5: {  	[tilespmem:s11], [sflag:$0x1] =	stream.indirect.gather [hbm4b:s1+s9], $0x400, s0, s9, $0xb8;
	[tilespmem:$0x18C80] =	vst v63  }
0xe6: {  	_ =	swait.ge [sflag:s7], $0x8000  }
0xe7: {  	[sflag:s7] =	ssyncset.done $0x0  }
0xe8: {  	s10 =	rddreg [dreg:$0x15];
	[sflag:s7] =	ssyncadd.s32 $0xFFFF8000  }
0xe9: {  	[hbm4b:s10+s3] =	stream.linear.scatter [tilespmem:s13], [sflag:$0x5], $0x8000, $0x38;
	[tilespmem:$0x18C80] =	vst v63  }
0xea: {  	_ =	swait.ge [sflag:s8], $0x8000  }
0xeb: {  	[sflag:s8] =	ssyncset.done $0x0  }
0xec: {  	s12 =	rddreg [dreg:$0x16];
	[sflag:s8] =	ssyncadd.s32 $0xFFFF8000  }
0xed: {  	[hbm4b:s12+s3] =	stream.linear.scatter [tilespmem:s15], [sflag:$0x6], $0x8000, $0x38;
	[tilespmem:$0x18C80] =	vst v63  }
0xee: {  	_ =	swait.ge [sflag:s6], $0x8000  }
0xef: {  	[sflag:s6] =	ssyncset.done $0x0  }
0xf0: {  	s14 =	rddreg [dreg:$0x17];
	[sflag:s6] =	ssyncadd.s32 $0xFFFF8000  }
0xf1: {  	[hbm4b:s14+s3] =	stream.linear.scatter [tilespmem:s11], [sflag:$0x4], $0x8000, $0x38;
	[tilespmem:$0x18C80] =	vst v63  }
0xf2: {  	_ =	swait.ge [sflag:s18], $0x8000  }
0xf3: {  	[sflag:s18] =	ssyncset.done $0x0  }
0xf4: {  	[sflag:s18] =	ssyncadd.s32 $0xFFFF8000  }
0xf5: {  	p0 =	sne.s32 s5, $0x1;
	_ =	swait.ge [sflag:s20], $0x8000  }
.Ltmp0:
0xf6: {  	[sflag:s20] =	ssyncset.done $0x0;
	(pc) =	sbr.rel @p0 .LBB2_1-.Ltmp0, $4  }
0xf7: {  	[sflag:s20] =	ssyncadd.s32 $0xFFFF8000  }
0xf8: {  	_ =	swait.ge [sflag:s16], $0x8000  }
0xf9: {  	[sflag:s16] =	ssyncset.done $0x0  }
0xfa: {  	s5 =	sadd.s32 $0xFFFFFFFF, s5;
	[sflag:s16] =	ssyncadd.s32 $0xFFFF8000  }
0xfb: {  	_ =	sfence.sel $0x180000  }
0xfc: {  	[bflag:$0x0] =	sbarrier.arrive $0xFFFF  }
0xfd: {  	_ =	strace $0x90000047  }
0xfe: {  	s0 =	stileid.u32;
	[bflag:$0x2] =	sbarrier.arrive $0xFFFF  }
0xff: {  	p0 =	sne.s32 s0, $0x0;
	s0 =	rddreg [dreg:$0x5]  }
0x100: {  	s0 =	sadd.s32 @!p0 $0x100000, s0  }
0x101: {  	[sflag:s0] =	ssyncadd.tile.s32 @!p0 $0x1;
	_ =	shalt  }
.Lfunc_end2:
_tile_overlayer_lowered:
.L_overlay_start_2:
0x102: {  	(tag) =	ssettag $0x2  }
0x103: {  	s0 =	rddreg [dreg:$0x0];
	s2 =	stileid.u32  }
0x104: {  	s1 =	rddreg [dreg:$0x1];
	p0 =	sne.s32 s2, $0x0  }
0x105: {  	s3 =	rddreg [dreg:$0x2];
	[bflag:$0x3] =	sbarrier.arrive $0xFFFF;
	s2 =	simm.s32 @!p0 $0x1C07  }
0x106: {  	[timem:s3], [sflag:s2] =	dma.local @!p0 [hbm:s0], s1  }
0x107: {  	s0 =	simm.s32 @!p0 $0x7  }
0x108: {  	_ =	swait.ge @!p0 [sflag:s0], s1  }
0x109: {  	s1 =	ssub.s32 @!p0 $0x0, s1;
	[sflag:s0] =	ssyncset.done @!p0 $0x0  }
0x10a: {  	[sflag:s0] =	ssyncadd.s32 @!p0 s1  }
0x10b: {  	[bflag:$0x3] =	sbarrier.arrive $0xFFFF  }
0x10c: {  	_ =	shalt  }

</sc_bundles>
